<compile_context>
chip_gen: v7x
topology: tpu7x:2x2x1
jax: 0.10.2.dev20260603
libtpu: 0.0.44.dev20260713+nightly
codegen_flags: <defaults>
</compile_context>

<pallas_src>
import functools

import jax
import jax.numpy as jnp
from jax import lax
from jax.experimental import pallas as pl
from jax.experimental.pallas import tpu as pltpu
from jax.experimental.pallas import tpu_sc as plsc

BATCH = 16384
EMBED = 64
LANES = 16
CHUNK = 128


def _sc_body(bpw, nchunks, nc,
             cidx_hbm, aidx_hbm, ctab_hbm, atab_hbm, cbias_hbm, abias_hbm,
             out_hbm,
             cidx_v, aidx_v, crows_v, arows_v, cb_v, ab_v, out_v, sem):
    wid = lax.axis_index("s") * nc + lax.axis_index("c")

    pltpu.sync_copy(cidx_hbm.at[wid], cidx_v)
    pltpu.sync_copy(aidx_hbm.at[wid], aidx_v)

    copies = []
    for j in range(nchunks):
        row = pl.ds(j * CHUNK, CHUNK)
        copies.append(pltpu.async_copy(ctab_hbm.at[cidx_v.at[j]],
                                       crows_v.at[row], sem))
        copies.append(pltpu.async_copy(atab_hbm.at[aidx_v.at[j]],
                                       arows_v.at[row], sem))
        copies.append(pltpu.async_copy(cbias_hbm.at[cidx_v.at[j]],
                                       cb_v.at[row], sem))
        copies.append(pltpu.async_copy(abias_hbm.at[aidx_v.at[j]],
                                       ab_v.at[row], sem))
    for c in copies:
        c.wait()

    lane_ids = lax.iota(jnp.int32, LANES)

    def body(g, carry):
        base_i = g * LANES
        sums = jnp.zeros((LANES,), jnp.float32)
        for t in range(LANES):
            i = base_i + t
            acc = jnp.zeros((LANES,), jnp.float32)
            for k in range(EMBED // LANES):
                col = pl.ds(k * LANES, LANES)
                acc = acc + crows_v[i, col] * arows_v[i, col]
            s = jnp.sum(acc)
            sums = jnp.where(lane_ids == t, jnp.full((LANES,), s), sums)
        grp = pl.ds(base_i, LANES)
        out_v[grp] = sums + cb_v[grp] + ab_v[grp]
        return carry

    lax.fori_loop(0, bpw // LANES, body, 0)

    pltpu.sync_copy(out_v, out_hbm.at[pl.ds(wid * bpw, bpw)])


def kernel(customer_idx, article_idx, customer_emb_table, article_emb_table,
           customer_bias_table, article_bias_table):
    info = plsc.get_sparse_core_info()
    nc, ns = info.num_cores, info.num_subcores
    nw = nc * ns
    bpw = BATCH // nw
    nchunks = bpw // CHUNK

    cidx = customer_idx.astype(jnp.int32).reshape(nw, nchunks, CHUNK)
    aidx = article_idx.astype(jnp.int32).reshape(nw, nchunks, CHUNK)
    cbias = customer_bias_table.reshape(-1)
    abias = article_bias_table.reshape(-1)

    mesh = plsc.VectorSubcoreMesh(core_axis_name="c", subcore_axis_name="s")
    k = pl.kernel(
        functools.partial(_sc_body, bpw, nchunks, nc),
        out_type=jax.ShapeDtypeStruct((BATCH,), jnp.float32),
        mesh=mesh,
        compiler_params=pltpu.CompilerParams(needs_layout_passes=False,
                                             use_tc_tiling_on_sc=False),
        scratch_types=[
            pltpu.VMEM((nchunks, CHUNK), jnp.int32),
            pltpu.VMEM((nchunks, CHUNK), jnp.int32),
            pltpu.VMEM((bpw, EMBED), jnp.float32),
            pltpu.VMEM((bpw, EMBED), jnp.float32),
            pltpu.VMEM((bpw,), jnp.float32),
            pltpu.VMEM((bpw,), jnp.float32),
            pltpu.VMEM((bpw,), jnp.float32),
            pltpu.SemaphoreType.DMA,
        ],
    )
    return k(cidx, aidx, customer_emb_table, article_emb_table, cbias, abias)

# --- scband reference (transcript-rebuilt; emitter-appended) ---
"""Pipeline reference for scband-collaborative-filtering-model-46213848105914 (READ-ONLY COPY).

The authoritative reference and input builder live on the scoring server;
editing this copy changes nothing except your own understanding.
"""

import jax, jax.numpy as jnp
import numpy as np

NUM_CUSTOMERS = 1000000
NUM_ARTICLES = 1000000
EMBED_DIM = 64
BATCH = 16384


def setup_inputs(seed: int = 0) -> dict:
    key = jax.random.key(seed)
    k1, k2, k3, k4 = jax.random.split(key, 4)
    customer_idx = jax.random.randint(k1, (BATCH,), 0, NUM_CUSTOMERS, dtype=jnp.int64) if jax.config.jax_enable_x64 else jax.random.randint(k1, (BATCH,), 0, NUM_CUSTOMERS, dtype=jnp.int32)
    article_idx = jax.random.randint(k2, (BATCH,), 0, NUM_ARTICLES, dtype=jnp.int32)
    # xavier_uniform for embeddings: bound = sqrt(6 / (fan_in + fan_out))
    bound_c = float(np.sqrt(6.0 / (NUM_CUSTOMERS + EMBED_DIM)))
    bound_a = float(np.sqrt(6.0 / (NUM_ARTICLES + EMBED_DIM)))
    customer_emb_table = jax.random.uniform(k3, (NUM_CUSTOMERS, EMBED_DIM), minval=-bound_c, maxval=bound_c, dtype=jnp.float32)
    article_emb_table = jax.random.uniform(k4, (NUM_ARTICLES, EMBED_DIM), minval=-bound_a, maxval=bound_a, dtype=jnp.float32)
    customer_bias_table = jnp.zeros((NUM_CUSTOMERS, 1), dtype=jnp.float32)
    article_bias_table = jnp.zeros((NUM_ARTICLES, 1), dtype=jnp.float32)
    return {
        "customer_idx": customer_idx,
        "article_idx": article_idx,
        "customer_emb_table": customer_emb_table,
        "article_emb_table": article_emb_table,
        "customer_bias_table": customer_bias_table,
        "article_bias_table": article_bias_table,
    }


def reference(customer_idx, article_idx, customer_emb_table, article_emb_table, customer_bias_table, article_bias_table):
    # Dropout is identity in eval mode.
    customer_emb = jnp.take(customer_emb_table, customer_idx, axis=0)
    article_emb = jnp.take(article_emb_table, article_idx, axis=0)
    customer_b = jnp.take(customer_bias_table, customer_idx, axis=0)[:, 0]
    article_b = jnp.take(article_bias_table, article_idx, axis=0)[:, 0]
    dot_product = jnp.sum(customer_emb * article_emb, axis=-1)
    score = dot_product + customer_b + article_b
    return score

if __name__ == "__main__":
    import jax
    _d = setup_inputs()
    print(jax.jit(kernel)(*tuple(_d.values())))

</pallas_src>

<mosaic_0001>
#map = affine_map<(d0, d1) -> (0, 0, 0)>
#map1 = affine_map<(d0, d1) -> (0, 0)>
#map2 = affine_map<(d0, d1) -> (0)>
module attributes {stable_mosaic.version = 14 : i64} {
  func.func @_sc_body(%arg0: i32, %arg1: i32, %arg2: memref<32x4x128xi32, #tpu.memory_space<hbm>>, %arg3: memref<32x4x128xi32, #tpu.memory_space<hbm>>, %arg4: memref<1000000x64xf32, #tpu.memory_space<hbm>>, %arg5: memref<1000000x64xf32, #tpu.memory_space<hbm>>, %arg6: memref<1000000xf32, #tpu.memory_space<hbm>>, %arg7: memref<1000000xf32, #tpu.memory_space<hbm>>, %arg8: memref<16384xf32, #tpu.memory_space<hbm>>, %arg9: memref<4x128xi32, #tpu.memory_space<vmem>>, %arg10: memref<4x128xi32, #tpu.memory_space<vmem>>, %arg11: memref<512x64xf32, #tpu.memory_space<vmem>>, %arg12: memref<512x64xf32, #tpu.memory_space<vmem>>, %arg13: memref<512xf32, #tpu.memory_space<vmem>>, %arg14: memref<512xf32, #tpu.memory_space<vmem>>, %arg15: memref<512xf32, #tpu.memory_space<vmem>>, %arg16: memref<!tpu.dma_semaphore, #tpu.memory_space<semaphore_mem>>) attributes {dimension_semantics = [#tpu.dimension_semantics<core_parallel>, #tpu.dimension_semantics<subcore_parallel>], iteration_bounds = array<i64: 2, 16>, scalar_prefetch = 0 : i64, scratch_operands = 8 : i64, tpu.core_type = #tpu.core_type<sc_vector_subcore>, window_params = [{transform_indices = #map}, {transform_indices = #map}, {transform_indices = #map1}, {transform_indices = #map1}, {transform_indices = #map2}, {transform_indices = #map2}, {transform_indices = #map2}]} {
    %mul3A = arith.constant 2 : i32
    %mul3A_0 = arith.muli %arg1, %mul3A : i32
    %add3A = arith.addi %mul3A_0, %arg0 : i32
    "tpu.region"() ({
      %run_scoped3A = tpu.sem_alloc : memref<!tpu.dma_semaphore, #tpu.memory_space<semaphore_mem>>
      %dma_start3A_294 = arith.constant 0 : i32
      %dma_start3A_295 = arith.constant 0 : i32
      %dma_start3A_296 = tpu.memref_slice %arg2[%add3A, %dma_start3A_294, %dma_start3A_295] : memref<32x4x128xi32, #tpu.memory_space<hbm>> -> memref<1x4x128xi32, #tpu.memory_space<hbm>>
      %dma_start3A_297 = tpu.memref_squeeze %dma_start3A_296 : memref<1x4x128xi32, #tpu.memory_space<hbm>> -> memref<4x128xi32, #tpu.memory_space<hbm>>
      %dma_start3A_298 = arith.constant 0 : i32
      %dma_start3A_299 = arith.constant 0 : i32
      %dma_start3A_300 = tpu.memref_slice %arg2[%add3A, %dma_start3A_298, %dma_start3A_299] : memref<32x4x128xi32, #tpu.memory_space<hbm>> -> memref<1x4x128xi32, #tpu.memory_space<hbm>>
      %dma_start3A_301 = tpu.memref_squeeze %dma_start3A_300 : memref<1x4x128xi32, #tpu.memory_space<hbm>> -> memref<4x128xi32, #tpu.memory_space<hbm>>
      tpu.enqueue_dma source(%dma_start3A_301 : memref<4x128xi32, #tpu.memory_space<hbm>>) target(%arg9 : memref<4x128xi32, #tpu.memory_space<vmem>>) target_semaphore(%run_scoped3A : memref<!tpu.dma_semaphore, #tpu.memory_space<semaphore_mem>>)
      %dma_wait3A_302 = arith.constant 0 : i32
      %dma_wait3A_303 = arith.constant 0 : i32
      %dma_wait3A_304 = tpu.memref_slice %arg2[%add3A, %dma_wait3A_302, %dma_wait3A_303] : memref<32x4x128xi32, #tpu.memory_space<hbm>> -> memref<1x4x128xi32, #tpu.memory_space<hbm>>
      %dma_wait3A_305 = tpu.memref_squeeze %dma_wait3A_304 : memref<1x4x128xi32, #tpu.memory_space<hbm>> -> memref<4x128xi32, #tpu.memory_space<hbm>>
      %dma_wait3A_306 = arith.constant 0 : i32
      %dma_wait3A_307 = arith.constant 0 : i32
      %dma_wait3A_308 = tpu.memref_slice %arg2[%add3A, %dma_wait3A_306, %dma_wait3A_307] : memref<32x4x128xi32, #tpu.memory_space<hbm>> -> memref<1x4x128xi32, #tpu.memory_space<hbm>>
      %dma_wait3A_309 = tpu.memref_squeeze %dma_wait3A_308 : memref<1x4x128xi32, #tpu.memory_space<hbm>> -> memref<4x128xi32, #tpu.memory_space<hbm>>
      tpu.wait_dma2 semaphore(%run_scoped3A : memref<!tpu.dma_semaphore, #tpu.memory_space<semaphore_mem>>) src(%dma_wait3A_309 : memref<4x128xi32, #tpu.memory_space<hbm>>) dst(%arg9 : memref<4x128xi32, #tpu.memory_space<vmem>>)
      tpu.yield
    }) : () -> ()
    "tpu.region"() ({
      %run_scoped3A = tpu.sem_alloc : memref<!tpu.dma_semaphore, #tpu.memory_space<semaphore_mem>>
      %dma_start3A_294 = arith.constant 0 : i32
      %dma_start3A_295 = arith.constant 0 : i32
      %dma_start3A_296 = tpu.memref_slice %arg3[%add3A, %dma_start3A_294, %dma_start3A_295] : memref<32x4x128xi32, #tpu.memory_space<hbm>> -> memref<1x4x128xi32, #tpu.memory_space<hbm>>
      %dma_start3A_297 = tpu.memref_squeeze %dma_start3A_296 : memref<1x4x128xi32, #tpu.memory_space<hbm>> -> memref<4x128xi32, #tpu.memory_space<hbm>>
      %dma_start3A_298 = arith.constant 0 : i32
      %dma_start3A_299 = arith.constant 0 : i32
      %dma_start3A_300 = tpu.memref_slice %arg3[%add3A, %dma_start3A_298, %dma_start3A_299] : memref<32x4x128xi32, #tpu.memory_space<hbm>> -> memref<1x4x128xi32, #tpu.memory_space<hbm>>
      %dma_start3A_301 = tpu.memref_squeeze %dma_start3A_300 : memref<1x4x128xi32, #tpu.memory_space<hbm>> -> memref<4x128xi32, #tpu.memory_space<hbm>>
      tpu.enqueue_dma source(%dma_start3A_301 : memref<4x128xi32, #tpu.memory_space<hbm>>) target(%arg10 : memref<4x128xi32, #tpu.memory_space<vmem>>) target_semaphore(%run_scoped3A : memref<!tpu.dma_semaphore, #tpu.memory_space<semaphore_mem>>)
      %dma_wait3A_302 = arith.constant 0 : i32
      %dma_wait3A_303 = arith.constant 0 : i32
      %dma_wait3A_304 = tpu.memref_slice %arg3[%add3A, %dma_wait3A_302, %dma_wait3A_303] : memref<32x4x128xi32, #tpu.memory_space<hbm>> -> memref<1x4x128xi32, #tpu.memory_space<hbm>>
      %dma_wait3A_305 = tpu.memref_squeeze %dma_wait3A_304 : memref<1x4x128xi32, #tpu.memory_space<hbm>> -> memref<4x128xi32, #tpu.memory_space<hbm>>
      %dma_wait3A_306 = arith.constant 0 : i32
      %dma_wait3A_307 = arith.constant 0 : i32
      %dma_wait3A_308 = tpu.memref_slice %arg3[%add3A, %dma_wait3A_306, %dma_wait3A_307] : memref<32x4x128xi32, #tpu.memory_space<hbm>> -> memref<1x4x128xi32, #tpu.memory_space<hbm>>
      %dma_wait3A_309 = tpu.memref_squeeze %dma_wait3A_308 : memref<1x4x128xi32, #tpu.memory_space<hbm>> -> memref<4x128xi32, #tpu.memory_space<hbm>>
      tpu.wait_dma2 semaphore(%run_scoped3A : memref<!tpu.dma_semaphore, #tpu.memory_space<semaphore_mem>>) src(%dma_wait3A_309 : memref<4x128xi32, #tpu.memory_space<hbm>>) dst(%arg10 : memref<4x128xi32, #tpu.memory_space<vmem>>)
      tpu.yield
    }) : () -> ()
    %dma_start3A = arith.constant 0 : i32
    %dma_start3A_1 = arith.constant 0 : i32
    %dma_start3A_2 = arith.constant 0 : i32
    %dma_start3A_3 = tpu.memref_slice %arg11[%dma_start3A_1, %dma_start3A_2] : memref<512x64xf32, #tpu.memory_space<vmem>> -> memref<128x64xf32, #tpu.memory_space<vmem>>
    %dma_start3A_4 = arith.constant 0 : i32
    %dma_start3A_5 = tpu.memref_slice %arg9[%dma_start3A, %dma_start3A_4] : memref<4x128xi32, #tpu.memory_space<vmem>> -> memref<1x128xi32, #tpu.memory_space<vmem>>
    %dma_start3A_6 = tpu.memref_squeeze %dma_start3A_5 : memref<1x128xi32, #tpu.memory_space<vmem>> -> memref<128xi32, #tpu.memory_space<vmem>>
    %dma_start3A_7 = arith.constant 0 : i32
    %dma_start3A_8 = arith.constant 0 : i32
    %dma_start3A_9 = tpu.memref_slice %arg4[%dma_start3A_7, %dma_start3A_8] : memref<1000000x64xf32, #tpu.memory_space<hbm>> -> memref<1000000x64xf32, #tpu.memory_space<hbm>>
    tpu.enqueue_indirect_dma source(%dma_start3A_9 : memref<1000000x64xf32, #tpu.memory_space<hbm>>) target(%dma_start3A_3 : memref<128x64xf32, #tpu.memory_space<vmem>>) offsets(%dma_start3A_6 : memref<128xi32, #tpu.memory_space<vmem>>) semaphore(%arg16 : memref<!tpu.dma_semaphore, #tpu.memory_space<semaphore_mem>>)
    %dma_start3A_10 = arith.constant 0 : i32
    %dma_start3A_11 = arith.constant 0 : i32
    %dma_start3A_12 = arith.constant 0 : i32
    %dma_start3A_13 = tpu.memref_slice %arg12[%dma_start3A_11, %dma_start3A_12] : memref<512x64xf32, #tpu.memory_space<vmem>> -> memref<128x64xf32, #tpu.memory_space<vmem>>
    %dma_start3A_14 = arith.constant 0 : i32
    %dma_start3A_15 = tpu.memref_slice %arg10[%dma_start3A_10, %dma_start3A_14] : memref<4x128xi32, #tpu.memory_space<vmem>> -> memref<1x128xi32, #tpu.memory_space<vmem>>
    %dma_start3A_16 = tpu.memref_squeeze %dma_start3A_15 : memref<1x128xi32, #tpu.memory_space<vmem>> -> memref<128xi32, #tpu.memory_space<vmem>>
    %dma_start3A_17 = arith.constant 0 : i32
    %dma_start3A_18 = arith.constant 0 : i32
    %dma_start3A_19 = tpu.memref_slice %arg5[%dma_start3A_17, %dma_start3A_18] : memref<1000000x64xf32, #tpu.memory_space<hbm>> -> memref<1000000x64xf32, #tpu.memory_space<hbm>>
    tpu.enqueue_indirect_dma source(%dma_start3A_19 : memref<1000000x64xf32, #tpu.memory_space<hbm>>) target(%dma_start3A_13 : memref<128x64xf32, #tpu.memory_space<vmem>>) offsets(%dma_start3A_16 : memref<128xi32, #tpu.memory_space<vmem>>) semaphore(%arg16 : memref<!tpu.dma_semaphore, #tpu.memory_space<semaphore_mem>>)
    %dma_start3A_20 = arith.constant 0 : i32
    %dma_start3A_21 = arith.constant 0 : i32
    %dma_start3A_22 = tpu.memref_slice %arg13[%dma_start3A_21] : memref<512xf32, #tpu.memory_space<vmem>> -> memref<128xf32, #tpu.memory_space<vmem>>
    %dma_start3A_23 = arith.constant 0 : i32
    %dma_start3A_24 = tpu.memref_slice %arg9[%dma_start3A_20, %dma_start3A_23] : memref<4x128xi32, #tpu.memory_space<vmem>> -> memref<1x128xi32, #tpu.memory_space<vmem>>
    %dma_start3A_25 = tpu.memref_squeeze %dma_start3A_24 : memref<1x128xi32, #tpu.memory_space<vmem>> -> memref<128xi32, #tpu.memory_space<vmem>>
    %dma_start3A_26 = arith.constant 0 : i32
    %dma_start3A_27 = tpu.memref_slice %arg6[%dma_start3A_26] : memref<1000000xf32, #tpu.memory_space<hbm>> -> memref<1000000xf32, #tpu.memory_space<hbm>>
    tpu.enqueue_indirect_dma source(%dma_start3A_27 : memref<1000000xf32, #tpu.memory_space<hbm>>) target(%dma_start3A_22 : memref<128xf32, #tpu.memory_space<vmem>>) offsets(%dma_start3A_25 : memref<128xi32, #tpu.memory_space<vmem>>) semaphore(%arg16 : memref<!tpu.dma_semaphore, #tpu.memory_space<semaphore_mem>>)
    %dma_start3A_28 = arith.constant 0 : i32
    %dma_start3A_29 = arith.constant 0 : i32
    %dma_start3A_30 = tpu.memref_slice %arg14[%dma_start3A_29] : memref<512xf32, #tpu.memory_space<vmem>> -> memref<128xf32, #tpu.memory_space<vmem>>
    %dma_start3A_31 = arith.constant 0 : i32
    %dma_start3A_32 = tpu.memref_slice %arg10[%dma_start3A_28, %dma_start3A_31] : memref<4x128xi32, #tpu.memory_space<vmem>> -> memref<1x128xi32, #tpu.memory_space<vmem>>
    %dma_start3A_33 = tpu.memref_squeeze %dma_start3A_32 : memref<1x128xi32, #tpu.memory_space<vmem>> -> memref<128xi32, #tpu.memory_space<vmem>>
    %dma_start3A_34 = arith.constant 0 : i32
    %dma_start3A_35 = tpu.memref_slice %arg7[%dma_start3A_34] : memref<1000000xf32, #tpu.memory_space<hbm>> -> memref<1000000xf32, #tpu.memory_space<hbm>>
    tpu.enqueue_indirect_dma source(%dma_start3A_35 : memref<1000000xf32, #tpu.memory_space<hbm>>) target(%dma_start3A_30 : memref<128xf32, #tpu.memory_space<vmem>>) offsets(%dma_start3A_33 : memref<128xi32, #tpu.memory_space<vmem>>) semaphore(%arg16 : memref<!tpu.dma_semaphore, #tpu.memory_space<semaphore_mem>>)
    %dma_start3A_36 = arith.constant 1 : i32
    %dma_start3A_37 = arith.constant 128 : i32
    %dma_start3A_38 = arith.constant 0 : i32
    %dma_start3A_39 = tpu.memref_slice %arg11[%dma_start3A_37, %dma_start3A_38] : memref<512x64xf32, #tpu.memory_space<vmem>> -> memref<128x64xf32, #tpu.memory_space<vmem>>
    %dma_start3A_40 = arith.constant 0 : i32
    %dma_start3A_41 = tpu.memref_slice %arg9[%dma_start3A_36, %dma_start3A_40] : memref<4x128xi32, #tpu.memory_space<vmem>> -> memref<1x128xi32, #tpu.memory_space<vmem>>
    %dma_start3A_42 = tpu.memref_squeeze %dma_start3A_41 : memref<1x128xi32, #tpu.memory_space<vmem>> -> memref<128xi32, #tpu.memory_space<vmem>>
    %dma_start3A_43 = arith.constant 0 : i32
    %dma_start3A_44 = arith.constant 0 : i32
    %dma_start3A_45 = tpu.memref_slice %arg4[%dma_start3A_43, %dma_start3A_44] : memref<1000000x64xf32, #tpu.memory_space<hbm>> -> memref<1000000x64xf32, #tpu.memory_space<hbm>>
    tpu.enqueue_indirect_dma source(%dma_start3A_45 : memref<1000000x64xf32, #tpu.memory_space<hbm>>) target(%dma_start3A_39 : memref<128x64xf32, #tpu.memory_space<vmem>>) offsets(%dma_start3A_42 : memref<128xi32, #tpu.memory_space<vmem>>) semaphore(%arg16 : memref<!tpu.dma_semaphore, #tpu.memory_space<semaphore_mem>>)
    %dma_start3A_46 = arith.constant 1 : i32
    %dma_start3A_47 = arith.constant 128 : i32
    %dma_start3A_48 = arith.constant 0 : i32
    %dma_start3A_49 = tpu.memref_slice %arg12[%dma_start3A_47, %dma_start3A_48] : memref<512x64xf32, #tpu.memory_space<vmem>> -> memref<128x64xf32, #tpu.memory_space<vmem>>
    %dma_start3A_50 = arith.constant 0 : i32
    %dma_start3A_51 = tpu.memref_slice %arg10[%dma_start3A_46, %dma_start3A_50] : memref<4x128xi32, #tpu.memory_space<vmem>> -> memref<1x128xi32, #tpu.memory_space<vmem>>
    %dma_start3A_52 = tpu.memref_squeeze %dma_start3A_51 : memref<1x128xi32, #tpu.memory_space<vmem>> -> memref<128xi32, #tpu.memory_space<vmem>>
    %dma_start3A_53 = arith.constant 0 : i32
    %dma_start3A_54 = arith.constant 0 : i32
    %dma_start3A_55 = tpu.memref_slice %arg5[%dma_start3A_53, %dma_start3A_54] : memref<1000000x64xf32, #tpu.memory_space<hbm>> -> memref<1000000x64xf32, #tpu.memory_space<hbm>>
    tpu.enqueue_indirect_dma source(%dma_start3A_55 : memref<1000000x64xf32, #tpu.memory_space<hbm>>) target(%dma_start3A_49 : memref<128x64xf32, #tpu.memory_space<vmem>>) offsets(%dma_start3A_52 : memref<128xi32, #tpu.memory_space<vmem>>) semaphore(%arg16 : memref<!tpu.dma_semaphore, #tpu.memory_space<semaphore_mem>>)
    %dma_start3A_56 = arith.constant 1 : i32
    %dma_start3A_57 = arith.constant 128 : i32
    %dma_start3A_58 = tpu.memref_slice %arg13[%dma_start3A_57] : memref<512xf32, #tpu.memory_space<vmem>> -> memref<128xf32, #tpu.memory_space<vmem>>
    %dma_start3A_59 = arith.constant 0 : i32
    %dma_start3A_60 = tpu.memref_slice %arg9[%dma_start3A_56, %dma_start3A_59] : memref<4x128xi32, #tpu.memory_space<vmem>> -> memref<1x128xi32, #tpu.memory_space<vmem>>
    %dma_start3A_61 = tpu.memref_squeeze %dma_start3A_60 : memref<1x128xi32, #tpu.memory_space<vmem>> -> memref<128xi32, #tpu.memory_space<vmem>>
    %dma_start3A_62 = arith.constant 0 : i32
    %dma_start3A_63 = tpu.memref_slice %arg6[%dma_start3A_62] : memref<1000000xf32, #tpu.memory_space<hbm>> -> memref<1000000xf32, #tpu.memory_space<hbm>>
    tpu.enqueue_indirect_dma source(%dma_start3A_63 : memref<1000000xf32, #tpu.memory_space<hbm>>) target(%dma_start3A_58 : memref<128xf32, #tpu.memory_space<vmem>>) offsets(%dma_start3A_61 : memref<128xi32, #tpu.memory_space<vmem>>) semaphore(%arg16 : memref<!tpu.dma_semaphore, #tpu.memory_space<semaphore_mem>>)
    %dma_start3A_64 = arith.constant 1 : i32
    %dma_start3A_65 = arith.constant 128 : i32
    %dma_start3A_66 = tpu.memref_slice %arg14[%dma_start3A_65] : memref<512xf32, #tpu.memory_space<vmem>> -> memref<128xf32, #tpu.memory_space<vmem>>
    %dma_start3A_67 = arith.constant 0 : i32
    %dma_start3A_68 = tpu.memref_slice %arg10[%dma_start3A_64, %dma_start3A_67] : memref<4x128xi32, #tpu.memory_space<vmem>> -> memref<1x128xi32, #tpu.memory_space<vmem>>
    %dma_start3A_69 = tpu.memref_squeeze %dma_start3A_68 : memref<1x128xi32, #tpu.memory_space<vmem>> -> memref<128xi32, #tpu.memory_space<vmem>>
    %dma_start3A_70 = arith.constant 0 : i32
    %dma_start3A_71 = tpu.memref_slice %arg7[%dma_start3A_70] : memref<1000000xf32, #tpu.memory_space<hbm>> -> memref<1000000xf32, #tpu.memory_space<hbm>>
    tpu.enqueue_indirect_dma source(%dma_start3A_71 : memref<1000000xf32, #tpu.memory_space<hbm>>) target(%dma_start3A_66 : memref<128xf32, #tpu.memory_space<vmem>>) offsets(%dma_start3A_69 : memref<128xi32, #tpu.memory_space<vmem>>) semaphore(%arg16 : memref<!tpu.dma_semaphore, #tpu.memory_space<semaphore_mem>>)
    %dma_start3A_72 = arith.constant 2 : i32
    %dma_start3A_73 = arith.constant 256 : i32
    %dma_start3A_74 = arith.constant 0 : i32
    %dma_start3A_75 = tpu.memref_slice %arg11[%dma_start3A_73, %dma_start3A_74] : memref<512x64xf32, #tpu.memory_space<vmem>> -> memref<128x64xf32, #tpu.memory_space<vmem>>
    %dma_start3A_76 = arith.constant 0 : i32
    %dma_start3A_77 = tpu.memref_slice %arg9[%dma_start3A_72, %dma_start3A_76] : memref<4x128xi32, #tpu.memory_space<vmem>> -> memref<1x128xi32, #tpu.memory_space<vmem>>
    %dma_start3A_78 = tpu.memref_squeeze %dma_start3A_77 : memref<1x128xi32, #tpu.memory_space<vmem>> -> memref<128xi32, #tpu.memory_space<vmem>>
    %dma_start3A_79 = arith.constant 0 : i32
    %dma_start3A_80 = arith.constant 0 : i32
    %dma_start3A_81 = tpu.memref_slice %arg4[%dma_start3A_79, %dma_start3A_80] : memref<1000000x64xf32, #tpu.memory_space<hbm>> -> memref<1000000x64xf32, #tpu.memory_space<hbm>>
    tpu.enqueue_indirect_dma source(%dma_start3A_81 : memref<1000000x64xf32, #tpu.memory_space<hbm>>) target(%dma_start3A_75 : memref<128x64xf32, #tpu.memory_space<vmem>>) offsets(%dma_start3A_78 : memref<128xi32, #tpu.memory_space<vmem>>) semaphore(%arg16 : memref<!tpu.dma_semaphore, #tpu.memory_space<semaphore_mem>>)
    %dma_start3A_82 = arith.constant 2 : i32
    %dma_start3A_83 = arith.constant 256 : i32
    %dma_start3A_84 = arith.constant 0 : i32
    %dma_start3A_85 = tpu.memref_slice %arg12[%dma_start3A_83, %dma_start3A_84] : memref<512x64xf32, #tpu.memory_space<vmem>> -> memref<128x64xf32, #tpu.memory_space<vmem>>
    %dma_start3A_86 = arith.constant 0 : i32
    %dma_start3A_87 = tpu.memref_slice %arg10[%dma_start3A_82, %dma_start3A_86] : memref<4x128xi32, #tpu.memory_space<vmem>> -> memref<1x128xi32, #tpu.memory_space<vmem>>
    %dma_start3A_88 = tpu.memref_squeeze %dma_start3A_87 : memref<1x128xi32, #tpu.memory_space<vmem>> -> memref<128xi32, #tpu.memory_space<vmem>>
    %dma_start3A_89 = arith.constant 0 : i32
    %dma_start3A_90 = arith.constant 0 : i32
    %dma_start3A_91 = tpu.memref_slice %arg5[%dma_start3A_89, %dma_start3A_90] : memref<1000000x64xf32, #tpu.memory_space<hbm>> -> memref<1000000x64xf32, #tpu.memory_space<hbm>>
    tpu.enqueue_indirect_dma source(%dma_start3A_91 : memref<1000000x64xf32, #tpu.memory_space<hbm>>) target(%dma_start3A_85 : memref<128x64xf32, #tpu.memory_space<vmem>>) offsets(%dma_start3A_88 : memref<128xi32, #tpu.memory_space<vmem>>) semaphore(%arg16 : memref<!tpu.dma_semaphore, #tpu.memory_space<semaphore_mem>>)
    %dma_start3A_92 = arith.constant 2 : i32
    %dma_start3A_93 = arith.constant 256 : i32
    %dma_start3A_94 = tpu.memref_slice %arg13[%dma_start3A_93] : memref<512xf32, #tpu.memory_space<vmem>> -> memref<128xf32, #tpu.memory_space<vmem>>
    %dma_start3A_95 = arith.constant 0 : i32
    %dma_start3A_96 = tpu.memref_slice %arg9[%dma_start3A_92, %dma_start3A_95] : memref<4x128xi32, #tpu.memory_space<vmem>> -> memref<1x128xi32, #tpu.memory_space<vmem>>
    %dma_start3A_97 = tpu.memref_squeeze %dma_start3A_96 : memref<1x128xi32, #tpu.memory_space<vmem>> -> memref<128xi32, #tpu.memory_space<vmem>>
    %dma_start3A_98 = arith.constant 0 : i32
    %dma_start3A_99 = tpu.memref_slice %arg6[%dma_start3A_98] : memref<1000000xf32, #tpu.memory_space<hbm>> -> memref<1000000xf32, #tpu.memory_space<hbm>>
    tpu.enqueue_indirect_dma source(%dma_start3A_99 : memref<1000000xf32, #tpu.memory_space<hbm>>) target(%dma_start3A_94 : memref<128xf32, #tpu.memory_space<vmem>>) offsets(%dma_start3A_97 : memref<128xi32, #tpu.memory_space<vmem>>) semaphore(%arg16 : memref<!tpu.dma_semaphore, #tpu.memory_space<semaphore_mem>>)
    %dma_start3A_100 = arith.constant 2 : i32
    %dma_start3A_101 = arith.constant 256 : i32
    %dma_start3A_102 = tpu.memref_slice %arg14[%dma_start3A_101] : memref<512xf32, #tpu.memory_space<vmem>> -> memref<128xf32, #tpu.memory_space<vmem>>
    %dma_start3A_103 = arith.constant 0 : i32
    %dma_start3A_104 = tpu.memref_slice %arg10[%dma_start3A_100, %dma_start3A_103] : memref<4x128xi32, #tpu.memory_space<vmem>> -> memref<1x128xi32, #tpu.memory_space<vmem>>
    %dma_start3A_105 = tpu.memref_squeeze %dma_start3A_104 : memref<1x128xi32, #tpu.memory_space<vmem>> -> memref<128xi32, #tpu.memory_space<vmem>>
    %dma_start3A_106 = arith.constant 0 : i32
    %dma_start3A_107 = tpu.memref_slice %arg7[%dma_start3A_106] : memref<1000000xf32, #tpu.memory_space<hbm>> -> memref<1000000xf32, #tpu.memory_space<hbm>>
    tpu.enqueue_indirect_dma source(%dma_start3A_107 : memref<1000000xf32, #tpu.memory_space<hbm>>) target(%dma_start3A_102 : memref<128xf32, #tpu.memory_space<vmem>>) offsets(%dma_start3A_105 : memref<128xi32, #tpu.memory_space<vmem>>) semaphore(%arg16 : memref<!tpu.dma_semaphore, #tpu.memory_space<semaphore_mem>>)
    %dma_start3A_108 = arith.constant 3 : i32
    %dma_start3A_109 = arith.constant 384 : i32
    %dma_start3A_110 = arith.constant 0 : i32
    %dma_start3A_111 = tpu.memref_slice %arg11[%dma_start3A_109, %dma_start3A_110] : memref<512x64xf32, #tpu.memory_space<vmem>> -> memref<128x64xf32, #tpu.memory_space<vmem>>
    %dma_start3A_112 = arith.constant 0 : i32
    %dma_start3A_113 = tpu.memref_slice %arg9[%dma_start3A_108, %dma_start3A_112] : memref<4x128xi32, #tpu.memory_space<vmem>> -> memref<1x128xi32, #tpu.memory_space<vmem>>
    %dma_start3A_114 = tpu.memref_squeeze %dma_start3A_113 : memref<1x128xi32, #tpu.memory_space<vmem>> -> memref<128xi32, #tpu.memory_space<vmem>>
    %dma_start3A_115 = arith.constant 0 : i32
    %dma_start3A_116 = arith.constant 0 : i32
    %dma_start3A_117 = tpu.memref_slice %arg4[%dma_start3A_115, %dma_start3A_116] : memref<1000000x64xf32, #tpu.memory_space<hbm>> -> memref<1000000x64xf32, #tpu.memory_space<hbm>>
    tpu.enqueue_indirect_dma source(%dma_start3A_117 : memref<1000000x64xf32, #tpu.memory_space<hbm>>) target(%dma_start3A_111 : memref<128x64xf32, #tpu.memory_space<vmem>>) offsets(%dma_start3A_114 : memref<128xi32, #tpu.memory_space<vmem>>) semaphore(%arg16 : memref<!tpu.dma_semaphore, #tpu.memory_space<semaphore_mem>>)
    %dma_start3A_118 = arith.constant 3 : i32
    %dma_start3A_119 = arith.constant 384 : i32
    %dma_start3A_120 = arith.constant 0 : i32
    %dma_start3A_121 = tpu.memref_slice %arg12[%dma_start3A_119, %dma_start3A_120] : memref<512x64xf32, #tpu.memory_space<vmem>> -> memref<128x64xf32, #tpu.memory_space<vmem>>
    %dma_start3A_122 = arith.constant 0 : i32
    %dma_start3A_123 = tpu.memref_slice %arg10[%dma_start3A_118, %dma_start3A_122] : memref<4x128xi32, #tpu.memory_space<vmem>> -> memref<1x128xi32, #tpu.memory_space<vmem>>
    %dma_start3A_124 = tpu.memref_squeeze %dma_start3A_123 : memref<1x128xi32, #tpu.memory_space<vmem>> -> memref<128xi32, #tpu.memory_space<vmem>>
    %dma_start3A_125 = arith.constant 0 : i32
    %dma_start3A_126 = arith.constant 0 : i32
    %dma_start3A_127 = tpu.memref_slice %arg5[%dma_start3A_125, %dma_start3A_126] : memref<1000000x64xf32, #tpu.memory_space<hbm>> -> memref<1000000x64xf32, #tpu.memory_space<hbm>>
    tpu.enqueue_indirect_dma source(%dma_start3A_127 : memref<1000000x64xf32, #tpu.memory_space<hbm>>) target(%dma_start3A_121 : memref<128x64xf32, #tpu.memory_space<vmem>>) offsets(%dma_start3A_124 : memref<128xi32, #tpu.memory_space<vmem>>) semaphore(%arg16 : memref<!tpu.dma_semaphore, #tpu.memory_space<semaphore_mem>>)
    %dma_start3A_128 = arith.constant 3 : i32
    %dma_start3A_129 = arith.constant 384 : i32
    %dma_start3A_130 = tpu.memref_slice %arg13[%dma_start3A_129] : memref<512xf32, #tpu.memory_space<vmem>> -> memref<128xf32, #tpu.memory_space<vmem>>
    %dma_start3A_131 = arith.constant 0 : i32
    %dma_start3A_132 = tpu.memref_slice %arg9[%dma_start3A_128, %dma_start3A_131] : memref<4x128xi32, #tpu.memory_space<vmem>> -> memref<1x128xi32, #tpu.memory_space<vmem>>
    %dma_start3A_133 = tpu.memref_squeeze %dma_start3A_132 : memref<1x128xi32, #tpu.memory_space<vmem>> -> memref<128xi32, #tpu.memory_space<vmem>>
    %dma_start3A_134 = arith.constant 0 : i32
    %dma_start3A_135 = tpu.memref_slice %arg6[%dma_start3A_134] : memref<1000000xf32, #tpu.memory_space<hbm>> -> memref<1000000xf32, #tpu.memory_space<hbm>>
    tpu.enqueue_indirect_dma source(%dma_start3A_135 : memref<1000000xf32, #tpu.memory_space<hbm>>) target(%dma_start3A_130 : memref<128xf32, #tpu.memory_space<vmem>>) offsets(%dma_start3A_133 : memref<128xi32, #tpu.memory_space<vmem>>) semaphore(%arg16 : memref<!tpu.dma_semaphore, #tpu.memory_space<semaphore_mem>>)
    %dma_start3A_136 = arith.constant 3 : i32
    %dma_start3A_137 = arith.constant 384 : i32
    %dma_start3A_138 = tpu.memref_slice %arg14[%dma_start3A_137] : memref<512xf32, #tpu.memory_space<vmem>> -> memref<128xf32, #tpu.memory_space<vmem>>
    %dma_start3A_139 = arith.constant 0 : i32
    %dma_start3A_140 = tpu.memref_slice %arg10[%dma_start3A_136, %dma_start3A_139] : memref<4x128xi32, #tpu.memory_space<vmem>> -> memref<1x128xi32, #tpu.memory_space<vmem>>
    %dma_start3A_141 = tpu.memref_squeeze %dma_start3A_140 : memref<1x128xi32, #tpu.memory_space<vmem>> -> memref<128xi32, #tpu.memory_space<vmem>>
    %dma_start3A_142 = arith.constant 0 : i32
    %dma_start3A_143 = tpu.memref_slice %arg7[%dma_start3A_142] : memref<1000000xf32, #tpu.memory_space<hbm>> -> memref<1000000xf32, #tpu.memory_space<hbm>>
    tpu.enqueue_indirect_dma source(%dma_start3A_143 : memref<1000000xf32, #tpu.memory_space<hbm>>) target(%dma_start3A_138 : memref<128xf32, #tpu.memory_space<vmem>>) offsets(%dma_start3A_141 : memref<128xi32, #tpu.memory_space<vmem>>) semaphore(%arg16 : memref<!tpu.dma_semaphore, #tpu.memory_space<semaphore_mem>>)
    %dma_wait3A = arith.constant 0 : i32
    %dma_wait3A_144 = arith.constant 0 : i32
    %dma_wait3A_145 = arith.constant 0 : i32
    %dma_wait3A_146 = tpu.memref_slice %arg11[%dma_wait3A_144, %dma_wait3A_145] : memref<512x64xf32, #tpu.memory_space<vmem>> -> memref<128x64xf32, #tpu.memory_space<vmem>>
    %dma_wait3A_147 = arith.constant 0 : i32
    %dma_wait3A_148 = tpu.memref_slice %arg9[%dma_wait3A, %dma_wait3A_147] : memref<4x128xi32, #tpu.memory_space<vmem>> -> memref<1x128xi32, #tpu.memory_space<vmem>>
    %dma_wait3A_149 = tpu.memref_squeeze %dma_wait3A_148 : memref<1x128xi32, #tpu.memory_space<vmem>> -> memref<128xi32, #tpu.memory_space<vmem>>
    %dma_wait3A_150 = arith.constant 0 : i32
    %dma_wait3A_151 = arith.constant 0 : i32
    %dma_wait3A_152 = tpu.memref_slice %arg4[%dma_wait3A_150, %dma_wait3A_151] : memref<1000000x64xf32, #tpu.memory_space<hbm>> -> memref<1000000x64xf32, #tpu.memory_space<hbm>>
    tpu.wait_indirect_dma semaphore(%arg16 : memref<!tpu.dma_semaphore, #tpu.memory_space<semaphore_mem>>) src(%dma_wait3A_152 : memref<1000000x64xf32, #tpu.memory_space<hbm>>) dst(%dma_wait3A_146 : memref<128x64xf32, #tpu.memory_space<vmem>>)
    %dma_wait3A_153 = arith.constant 0 : i32
    %dma_wait3A_154 = arith.constant 0 : i32
    %dma_wait3A_155 = arith.constant 0 : i32
    %dma_wait3A_156 = tpu.memref_slice %arg12[%dma_wait3A_154, %dma_wait3A_155] : memref<512x64xf32, #tpu.memory_space<vmem>> -> memref<128x64xf32, #tpu.memory_space<vmem>>
    %dma_wait3A_157 = arith.constant 0 : i32
    %dma_wait3A_158 = tpu.memref_slice %arg10[%dma_wait3A_153, %dma_wait3A_157] : memref<4x128xi32, #tpu.memory_space<vmem>> -> memref<1x128xi32, #tpu.memory_space<vmem>>
    %dma_wait3A_159 = tpu.memref_squeeze %dma_wait3A_158 : memref<1x128xi32, #tpu.memory_space<vmem>> -> memref<128xi32, #tpu.memory_space<vmem>>
    %dma_wait3A_160 = arith.constant 0 : i32
    %dma_wait3A_161 = arith.constant 0 : i32
    %dma_wait3A_162 = tpu.memref_slice %arg5[%dma_wait3A_160, %dma_wait3A_161] : memref<1000000x64xf32, #tpu.memory_space<hbm>> -> memref<1000000x64xf32, #tpu.memory_space<hbm>>
    tpu.wait_indirect_dma semaphore(%arg16 : memref<!tpu.dma_semaphore, #tpu.memory_space<semaphore_mem>>) src(%dma_wait3A_162 : memref<1000000x64xf32, #tpu.memory_space<hbm>>) dst(%dma_wait3A_156 : memref<128x64xf32, #tpu.memory_space<vmem>>)
    %dma_wait3A_163 = arith.constant 0 : i32
    %dma_wait3A_164 = arith.constant 0 : i32
    %dma_wait3A_165 = tpu.memref_slice %arg13[%dma_wait3A_164] : memref<512xf32, #tpu.memory_space<vmem>> -> memref<128xf32, #tpu.memory_space<vmem>>
    %dma_wait3A_166 = arith.constant 0 : i32
    %dma_wait3A_167 = tpu.memref_slice %arg9[%dma_wait3A_163, %dma_wait3A_166] : memref<4x128xi32, #tpu.memory_space<vmem>> -> memref<1x128xi32, #tpu.memory_space<vmem>>
    %dma_wait3A_168 = tpu.memref_squeeze %dma_wait3A_167 : memref<1x128xi32, #tpu.memory_space<vmem>> -> memref<128xi32, #tpu.memory_space<vmem>>
    %dma_wait3A_169 = arith.constant 0 : i32
    %dma_wait3A_170 = tpu.memref_slice %arg6[%dma_wait3A_169] : memref<1000000xf32, #tpu.memory_space<hbm>> -> memref<1000000xf32, #tpu.memory_space<hbm>>
    tpu.wait_indirect_dma semaphore(%arg16 : memref<!tpu.dma_semaphore, #tpu.memory_space<semaphore_mem>>) src(%dma_wait3A_170 : memref<1000000xf32, #tpu.memory_space<hbm>>) dst(%dma_wait3A_165 : memref<128xf32, #tpu.memory_space<vmem>>)
    %dma_wait3A_171 = arith.constant 0 : i32
    %dma_wait3A_172 = arith.constant 0 : i32
    %dma_wait3A_173 = tpu.memref_slice %arg14[%dma_wait3A_172] : memref<512xf32, #tpu.memory_space<vmem>> -> memref<128xf32, #tpu.memory_space<vmem>>
    %dma_wait3A_174 = arith.constant 0 : i32
    %dma_wait3A_175 = tpu.memref_slice %arg10[%dma_wait3A_171, %dma_wait3A_174] : memref<4x128xi32, #tpu.memory_space<vmem>> -> memref<1x128xi32, #tpu.memory_space<vmem>>
    %dma_wait3A_176 = tpu.memref_squeeze %dma_wait3A_175 : memref<1x128xi32, #tpu.memory_space<vmem>> -> memref<128xi32, #tpu.memory_space<vmem>>
    %dma_wait3A_177 = arith.constant 0 : i32
    %dma_wait3A_178 = tpu.memref_slice %arg7[%dma_wait3A_177] : memref<1000000xf32, #tpu.memory_space<hbm>> -> memref<1000000xf32, #tpu.memory_space<hbm>>
    tpu.wait_indirect_dma semaphore(%arg16 : memref<!tpu.dma_semaphore, #tpu.memory_space<semaphore_mem>>) src(%dma_wait3A_178 : memref<1000000xf32, #tpu.memory_space<hbm>>) dst(%dma_wait3A_173 : memref<128xf32, #tpu.memory_space<vmem>>)
    %dma_wait3A_179 = arith.constant 1 : i32
    %dma_wait3A_180 = arith.constant 128 : i32
    %dma_wait3A_181 = arith.constant 0 : i32
    %dma_wait3A_182 = tpu.memref_slice %arg11[%dma_wait3A_180, %dma_wait3A_181] : memref<512x64xf32, #tpu.memory_space<vmem>> -> memref<128x64xf32, #tpu.memory_space<vmem>>
    %dma_wait3A_183 = arith.constant 0 : i32
    %dma_wait3A_184 = tpu.memref_slice %arg9[%dma_wait3A_179, %dma_wait3A_183] : memref<4x128xi32, #tpu.memory_space<vmem>> -> memref<1x128xi32, #tpu.memory_space<vmem>>
    %dma_wait3A_185 = tpu.memref_squeeze %dma_wait3A_184 : memref<1x128xi32, #tpu.memory_space<vmem>> -> memref<128xi32, #tpu.memory_space<vmem>>
    %dma_wait3A_186 = arith.constant 0 : i32
    %dma_wait3A_187 = arith.constant 0 : i32
    %dma_wait3A_188 = tpu.memref_slice %arg4[%dma_wait3A_186, %dma_wait3A_187] : memref<1000000x64xf32, #tpu.memory_space<hbm>> -> memref<1000000x64xf32, #tpu.memory_space<hbm>>
    tpu.wait_indirect_dma semaphore(%arg16 : memref<!tpu.dma_semaphore, #tpu.memory_space<semaphore_mem>>) src(%dma_wait3A_188 : memref<1000000x64xf32, #tpu.memory_space<hbm>>) dst(%dma_wait3A_182 : memref<128x64xf32, #tpu.memory_space<vmem>>)
    %dma_wait3A_189 = arith.constant 1 : i32
    %dma_wait3A_190 = arith.constant 128 : i32
    %dma_wait3A_191 = arith.constant 0 : i32
    %dma_wait3A_192 = tpu.memref_slice %arg12[%dma_wait3A_190, %dma_wait3A_191] : memref<512x64xf32, #tpu.memory_space<vmem>> -> memref<128x64xf32, #tpu.memory_space<vmem>>
    %dma_wait3A_193 = arith.constant 0 : i32
    %dma_wait3A_194 = tpu.memref_slice %arg10[%dma_wait3A_189, %dma_wait3A_193] : memref<4x128xi32, #tpu.memory_space<vmem>> -> memref<1x128xi32, #tpu.memory_space<vmem>>
    %dma_wait3A_195 = tpu.memref_squeeze %dma_wait3A_194 : memref<1x128xi32, #tpu.memory_space<vmem>> -> memref<128xi32, #tpu.memory_space<vmem>>
    %dma_wait3A_196 = arith.constant 0 : i32
    %dma_wait3A_197 = arith.constant 0 : i32
    %dma_wait3A_198 = tpu.memref_slice %arg5[%dma_wait3A_196, %dma_wait3A_197] : memref<1000000x64xf32, #tpu.memory_space<hbm>> -> memref<1000000x64xf32, #tpu.memory_space<hbm>>
    tpu.wait_indirect_dma semaphore(%arg16 : memref<!tpu.dma_semaphore, #tpu.memory_space<semaphore_mem>>) src(%dma_wait3A_198 : memref<1000000x64xf32, #tpu.memory_space<hbm>>) dst(%dma_wait3A_192 : memref<128x64xf32, #tpu.memory_space<vmem>>)
    %dma_wait3A_199 = arith.constant 1 : i32
    %dma_wait3A_200 = arith.constant 128 : i32
    %dma_wait3A_201 = tpu.memref_slice %arg13[%dma_wait3A_200] : memref<512xf32, #tpu.memory_space<vmem>> -> memref<128xf32, #tpu.memory_space<vmem>>
    %dma_wait3A_202 = arith.constant 0 : i32
    %dma_wait3A_203 = tpu.memref_slice %arg9[%dma_wait3A_199, %dma_wait3A_202] : memref<4x128xi32, #tpu.memory_space<vmem>> -> memref<1x128xi32, #tpu.memory_space<vmem>>
    %dma_wait3A_204 = tpu.memref_squeeze %dma_wait3A_203 : memref<1x128xi32, #tpu.memory_space<vmem>> -> memref<128xi32, #tpu.memory_space<vmem>>
    %dma_wait3A_205 = arith.constant 0 : i32
    %dma_wait3A_206 = tpu.memref_slice %arg6[%dma_wait3A_205] : memref<1000000xf32, #tpu.memory_space<hbm>> -> memref<1000000xf32, #tpu.memory_space<hbm>>
    tpu.wait_indirect_dma semaphore(%arg16 : memref<!tpu.dma_semaphore, #tpu.memory_space<semaphore_mem>>) src(%dma_wait3A_206 : memref<1000000xf32, #tpu.memory_space<hbm>>) dst(%dma_wait3A_201 : memref<128xf32, #tpu.memory_space<vmem>>)
    %dma_wait3A_207 = arith.constant 1 : i32
    %dma_wait3A_208 = arith.constant 128 : i32
    %dma_wait3A_209 = tpu.memref_slice %arg14[%dma_wait3A_208] : memref<512xf32, #tpu.memory_space<vmem>> -> memref<128xf32, #tpu.memory_space<vmem>>
    %dma_wait3A_210 = arith.constant 0 : i32
    %dma_wait3A_211 = tpu.memref_slice %arg10[%dma_wait3A_207, %dma_wait3A_210] : memref<4x128xi32, #tpu.memory_space<vmem>> -> memref<1x128xi32, #tpu.memory_space<vmem>>
    %dma_wait3A_212 = tpu.memref_squeeze %dma_wait3A_211 : memref<1x128xi32, #tpu.memory_space<vmem>> -> memref<128xi32, #tpu.memory_space<vmem>>
    %dma_wait3A_213 = arith.constant 0 : i32
    %dma_wait3A_214 = tpu.memref_slice %arg7[%dma_wait3A_213] : memref<1000000xf32, #tpu.memory_space<hbm>> -> memref<1000000xf32, #tpu.memory_space<hbm>>
    tpu.wait_indirect_dma semaphore(%arg16 : memref<!tpu.dma_semaphore, #tpu.memory_space<semaphore_mem>>) src(%dma_wait3A_214 : memref<1000000xf32, #tpu.memory_space<hbm>>) dst(%dma_wait3A_209 : memref<128xf32, #tpu.memory_space<vmem>>)
    %dma_wait3A_215 = arith.constant 2 : i32
    %dma_wait3A_216 = arith.constant 256 : i32
    %dma_wait3A_217 = arith.constant 0 : i32
    %dma_wait3A_218 = tpu.memref_slice %arg11[%dma_wait3A_216, %dma_wait3A_217] : memref<512x64xf32, #tpu.memory_space<vmem>> -> memref<128x64xf32, #tpu.memory_space<vmem>>
    %dma_wait3A_219 = arith.constant 0 : i32
    %dma_wait3A_220 = tpu.memref_slice %arg9[%dma_wait3A_215, %dma_wait3A_219] : memref<4x128xi32, #tpu.memory_space<vmem>> -> memref<1x128xi32, #tpu.memory_space<vmem>>
    %dma_wait3A_221 = tpu.memref_squeeze %dma_wait3A_220 : memref<1x128xi32, #tpu.memory_space<vmem>> -> memref<128xi32, #tpu.memory_space<vmem>>
    %dma_wait3A_222 = arith.constant 0 : i32
    %dma_wait3A_223 = arith.constant 0 : i32
    %dma_wait3A_224 = tpu.memref_slice %arg4[%dma_wait3A_222, %dma_wait3A_223] : memref<1000000x64xf32, #tpu.memory_space<hbm>> -> memref<1000000x64xf32, #tpu.memory_space<hbm>>
    tpu.wait_indirect_dma semaphore(%arg16 : memref<!tpu.dma_semaphore, #tpu.memory_space<semaphore_mem>>) src(%dma_wait3A_224 : memref<1000000x64xf32, #tpu.memory_space<hbm>>) dst(%dma_wait3A_218 : memref<128x64xf32, #tpu.memory_space<vmem>>)
    %dma_wait3A_225 = arith.constant 2 : i32
    %dma_wait3A_226 = arith.constant 256 : i32
    %dma_wait3A_227 = arith.constant 0 : i32
    %dma_wait3A_228 = tpu.memref_slice %arg12[%dma_wait3A_226, %dma_wait3A_227] : memref<512x64xf32, #tpu.memory_space<vmem>> -> memref<128x64xf32, #tpu.memory_space<vmem>>
    %dma_wait3A_229 = arith.constant 0 : i32
    %dma_wait3A_230 = tpu.memref_slice %arg10[%dma_wait3A_225, %dma_wait3A_229] : memref<4x128xi32, #tpu.memory_space<vmem>> -> memref<1x128xi32, #tpu.memory_space<vmem>>
    %dma_wait3A_231 = tpu.memref_squeeze %dma_wait3A_230 : memref<1x128xi32, #tpu.memory_space<vmem>> -> memref<128xi32, #tpu.memory_space<vmem>>
    %dma_wait3A_232 = arith.constant 0 : i32
    %dma_wait3A_233 = arith.constant 0 : i32
    %dma_wait3A_234 = tpu.memref_slice %arg5[%dma_wait3A_232, %dma_wait3A_233] : memref<1000000x64xf32, #tpu.memory_space<hbm>> -> memref<1000000x64xf32, #tpu.memory_space<hbm>>
    tpu.wait_indirect_dma semaphore(%arg16 : memref<!tpu.dma_semaphore, #tpu.memory_space<semaphore_mem>>) src(%dma_wait3A_234 : memref<1000000x64xf32, #tpu.memory_space<hbm>>) dst(%dma_wait3A_228 : memref<128x64xf32, #tpu.memory_space<vmem>>)
    %dma_wait3A_235 = arith.constant 2 : i32
    %dma_wait3A_236 = arith.constant 256 : i32
    %dma_wait3A_237 = tpu.memref_slice %arg13[%dma_wait3A_236] : memref<512xf32, #tpu.memory_space<vmem>> -> memref<128xf32, #tpu.memory_space<vmem>>
    %dma_wait3A_238 = arith.constant 0 : i32
    %dma_wait3A_239 = tpu.memref_slice %arg9[%dma_wait3A_235, %dma_wait3A_238] : memref<4x128xi32, #tpu.memory_space<vmem>> -> memref<1x128xi32, #tpu.memory_space<vmem>>
    %dma_wait3A_240 = tpu.memref_squeeze %dma_wait3A_239 : memref<1x128xi32, #tpu.memory_space<vmem>> -> memref<128xi32, #tpu.memory_space<vmem>>
    %dma_wait3A_241 = arith.constant 0 : i32
    %dma_wait3A_242 = tpu.memref_slice %arg6[%dma_wait3A_241] : memref<1000000xf32, #tpu.memory_space<hbm>> -> memref<1000000xf32, #tpu.memory_space<hbm>>
    tpu.wait_indirect_dma semaphore(%arg16 : memref<!tpu.dma_semaphore, #tpu.memory_space<semaphore_mem>>) src(%dma_wait3A_242 : memref<1000000xf32, #tpu.memory_space<hbm>>) dst(%dma_wait3A_237 : memref<128xf32, #tpu.memory_space<vmem>>)
    %dma_wait3A_243 = arith.constant 2 : i32
    %dma_wait3A_244 = arith.constant 256 : i32
    %dma_wait3A_245 = tpu.memref_slice %arg14[%dma_wait3A_244] : memref<512xf32, #tpu.memory_space<vmem>> -> memref<128xf32, #tpu.memory_space<vmem>>
    %dma_wait3A_246 = arith.constant 0 : i32
    %dma_wait3A_247 = tpu.memref_slice %arg10[%dma_wait3A_243, %dma_wait3A_246] : memref<4x128xi32, #tpu.memory_space<vmem>> -> memref<1x128xi32, #tpu.memory_space<vmem>>
    %dma_wait3A_248 = tpu.memref_squeeze %dma_wait3A_247 : memref<1x128xi32, #tpu.memory_space<vmem>> -> memref<128xi32, #tpu.memory_space<vmem>>
    %dma_wait3A_249 = arith.constant 0 : i32
    %dma_wait3A_250 = tpu.memref_slice %arg7[%dma_wait3A_249] : memref<1000000xf32, #tpu.memory_space<hbm>> -> memref<1000000xf32, #tpu.memory_space<hbm>>
    tpu.wait_indirect_dma semaphore(%arg16 : memref<!tpu.dma_semaphore, #tpu.memory_space<semaphore_mem>>) src(%dma_wait3A_250 : memref<1000000xf32, #tpu.memory_space<hbm>>) dst(%dma_wait3A_245 : memref<128xf32, #tpu.memory_space<vmem>>)
    %dma_wait3A_251 = arith.constant 3 : i32
    %dma_wait3A_252 = arith.constant 384 : i32
    %dma_wait3A_253 = arith.constant 0 : i32
    %dma_wait3A_254 = tpu.memref_slice %arg11[%dma_wait3A_252, %dma_wait3A_253] : memref<512x64xf32, #tpu.memory_space<vmem>> -> memref<128x64xf32, #tpu.memory_space<vmem>>
    %dma_wait3A_255 = arith.constant 0 : i32
    %dma_wait3A_256 = tpu.memref_slice %arg9[%dma_wait3A_251, %dma_wait3A_255] : memref<4x128xi32, #tpu.memory_space<vmem>> -> memref<1x128xi32, #tpu.memory_space<vmem>>
    %dma_wait3A_257 = tpu.memref_squeeze %dma_wait3A_256 : memref<1x128xi32, #tpu.memory_space<vmem>> -> memref<128xi32, #tpu.memory_space<vmem>>
    %dma_wait3A_258 = arith.constant 0 : i32
    %dma_wait3A_259 = arith.constant 0 : i32
    %dma_wait3A_260 = tpu.memref_slice %arg4[%dma_wait3A_258, %dma_wait3A_259] : memref<1000000x64xf32, #tpu.memory_space<hbm>> -> memref<1000000x64xf32, #tpu.memory_space<hbm>>
    tpu.wait_indirect_dma semaphore(%arg16 : memref<!tpu.dma_semaphore, #tpu.memory_space<semaphore_mem>>) src(%dma_wait3A_260 : memref<1000000x64xf32, #tpu.memory_space<hbm>>) dst(%dma_wait3A_254 : memref<128x64xf32, #tpu.memory_space<vmem>>)
    %dma_wait3A_261 = arith.constant 3 : i32
    %dma_wait3A_262 = arith.constant 384 : i32
    %dma_wait3A_263 = arith.constant 0 : i32
    %dma_wait3A_264 = tpu.memref_slice %arg12[%dma_wait3A_262, %dma_wait3A_263] : memref<512x64xf32, #tpu.memory_space<vmem>> -> memref<128x64xf32, #tpu.memory_space<vmem>>
    %dma_wait3A_265 = arith.constant 0 : i32
    %dma_wait3A_266 = tpu.memref_slice %arg10[%dma_wait3A_261, %dma_wait3A_265] : memref<4x128xi32, #tpu.memory_space<vmem>> -> memref<1x128xi32, #tpu.memory_space<vmem>>
    %dma_wait3A_267 = tpu.memref_squeeze %dma_wait3A_266 : memref<1x128xi32, #tpu.memory_space<vmem>> -> memref<128xi32, #tpu.memory_space<vmem>>
    %dma_wait3A_268 = arith.constant 0 : i32
    %dma_wait3A_269 = arith.constant 0 : i32
    %dma_wait3A_270 = tpu.memref_slice %arg5[%dma_wait3A_268, %dma_wait3A_269] : memref<1000000x64xf32, #tpu.memory_space<hbm>> -> memref<1000000x64xf32, #tpu.memory_space<hbm>>
    tpu.wait_indirect_dma semaphore(%arg16 : memref<!tpu.dma_semaphore, #tpu.memory_space<semaphore_mem>>) src(%dma_wait3A_270 : memref<1000000x64xf32, #tpu.memory_space<hbm>>) dst(%dma_wait3A_264 : memref<128x64xf32, #tpu.memory_space<vmem>>)
    %dma_wait3A_271 = arith.constant 3 : i32
    %dma_wait3A_272 = arith.constant 384 : i32
    %dma_wait3A_273 = tpu.memref_slice %arg13[%dma_wait3A_272] : memref<512xf32, #tpu.memory_space<vmem>> -> memref<128xf32, #tpu.memory_space<vmem>>
    %dma_wait3A_274 = arith.constant 0 : i32
    %dma_wait3A_275 = tpu.memref_slice %arg9[%dma_wait3A_271, %dma_wait3A_274] : memref<4x128xi32, #tpu.memory_space<vmem>> -> memref<1x128xi32, #tpu.memory_space<vmem>>
    %dma_wait3A_276 = tpu.memref_squeeze %dma_wait3A_275 : memref<1x128xi32, #tpu.memory_space<vmem>> -> memref<128xi32, #tpu.memory_space<vmem>>
    %dma_wait3A_277 = arith.constant 0 : i32
    %dma_wait3A_278 = tpu.memref_slice %arg6[%dma_wait3A_277] : memref<1000000xf32, #tpu.memory_space<hbm>> -> memref<1000000xf32, #tpu.memory_space<hbm>>
    tpu.wait_indirect_dma semaphore(%arg16 : memref<!tpu.dma_semaphore, #tpu.memory_space<semaphore_mem>>) src(%dma_wait3A_278 : memref<1000000xf32, #tpu.memory_space<hbm>>) dst(%dma_wait3A_273 : memref<128xf32, #tpu.memory_space<vmem>>)
    %dma_wait3A_279 = arith.constant 3 : i32
    %dma_wait3A_280 = arith.constant 384 : i32
    %dma_wait3A_281 = tpu.memref_slice %arg14[%dma_wait3A_280] : memref<512xf32, #tpu.memory_space<vmem>> -> memref<128xf32, #tpu.memory_space<vmem>>
    %dma_wait3A_282 = arith.constant 0 : i32
    %dma_wait3A_283 = tpu.memref_slice %arg10[%dma_wait3A_279, %dma_wait3A_282] : memref<4x128xi32, #tpu.memory_space<vmem>> -> memref<1x128xi32, #tpu.memory_space<vmem>>
    %dma_wait3A_284 = tpu.memref_squeeze %dma_wait3A_283 : memref<1x128xi32, #tpu.memory_space<vmem>> -> memref<128xi32, #tpu.memory_space<vmem>>
    %dma_wait3A_285 = arith.constant 0 : i32
    %dma_wait3A_286 = tpu.memref_slice %arg7[%dma_wait3A_285] : memref<1000000xf32, #tpu.memory_space<hbm>> -> memref<1000000xf32, #tpu.memory_space<hbm>>
    tpu.wait_indirect_dma semaphore(%arg16 : memref<!tpu.dma_semaphore, #tpu.memory_space<semaphore_mem>>) src(%dma_wait3A_286 : memref<1000000xf32, #tpu.memory_space<hbm>>) dst(%dma_wait3A_281 : memref<128xf32, #tpu.memory_space<vmem>>)
    %iota3A = tpu.iota {dimensions = array<i32: 0>} : vector<16xi32>
    %scan3A = arith.constant 0 : i32
    %scan3A_287 = arith.constant 0 : i32
    %scan3A_288 = arith.constant 32 : i32
    %scan3A_289 = arith.addi %scan3A_287, %scan3A_288 : i32
    %scan3A_290 = arith.constant 1 : i32
    scf.for %scan3A_294 = %scan3A_287 to %scan3A_289 step %scan3A_290  : i32 {
      %mul3A_295 = arith.constant 16 : i32
      %mul3A_296 = arith.muli %scan3A_294, %mul3A_295 : i32
      %broadcast_in_dim3A = arith.constant 0.000000e+00 : f32
      %broadcast_in_dim3A_297 = vector.broadcast %broadcast_in_dim3A : f32 to vector<16xf32>
      %add3A_298 = arith.constant 0 : i32
      %add3A_299 = arith.addi %mul3A_296, %add3A_298 : i32
      %broadcast_in_dim3A_300 = arith.constant 0.000000e+00 : f32
      %broadcast_in_dim3A_301 = vector.broadcast %broadcast_in_dim3A_300 : f32 to vector<16xf32>
      %get3A = arith.index_cast %add3A_299 : i32 to index
      %get3A_302 = arith.constant 0 : index
      %get3A_303 = tpu.vector_load %arg11[%get3A, %get3A_302] {strides = array<i32>} : memref<512x64xf32, #tpu.memory_space<vmem>>, vector<16xf32>,
      %get3A_304 = arith.index_cast %add3A_299 : i32 to index
      %get3A_305 = arith.constant 0 : index
      %get3A_306 = tpu.vector_load %arg12[%get3A_304, %get3A_305] {strides = array<i32>} : memref<512x64xf32, #tpu.memory_space<vmem>>, vector<16xf32>,
      %mul3A_307 = arith.mulf %get3A_303, %get3A_306 : vector<16xf32>
      %add3A_308 = arith.addf %broadcast_in_dim3A_301, %mul3A_307 : vector<16xf32>
      %get3A_309 = arith.index_cast %add3A_299 : i32 to index
      %get3A_310 = arith.constant 16 : index
      %get3A_311 = tpu.vector_load %arg11[%get3A_309, %get3A_310] {strides = array<i32>} : memref<512x64xf32, #tpu.memory_space<vmem>>, vector<16xf32>,
      %get3A_312 = arith.index_cast %add3A_299 : i32 to index
      %get3A_313 = arith.constant 16 : index
      %get3A_314 = tpu.vector_load %arg12[%get3A_312, %get3A_313] {strides = array<i32>} : memref<512x64xf32, #tpu.memory_space<vmem>>, vector<16xf32>,
      %mul3A_315 = arith.mulf %get3A_311, %get3A_314 : vector<16xf32>
      %add3A_316 = arith.addf %add3A_308, %mul3A_315 : vector<16xf32>
      %get3A_317 = arith.index_cast %add3A_299 : i32 to index
      %get3A_318 = arith.constant 32 : index
      %get3A_319 = tpu.vector_load %arg11[%get3A_317, %get3A_318] {strides = array<i32>} : memref<512x64xf32, #tpu.memory_space<vmem>>, vector<16xf32>,
      %get3A_320 = arith.index_cast %add3A_299 : i32 to index
      %get3A_321 = arith.constant 32 : index
      %get3A_322 = tpu.vector_load %arg12[%get3A_320, %get3A_321] {strides = array<i32>} : memref<512x64xf32, #tpu.memory_space<vmem>>, vector<16xf32>,
      %mul3A_323 = arith.mulf %get3A_319, %get3A_322 : vector<16xf32>
      %add3A_324 = arith.addf %add3A_316, %mul3A_323 : vector<16xf32>
      %get3A_325 = arith.index_cast %add3A_299 : i32 to index
      %get3A_326 = arith.constant 48 : index
      %get3A_327 = tpu.vector_load %arg11[%get3A_325, %get3A_326] {strides = array<i32>} : memref<512x64xf32, #tpu.memory_space<vmem>>, vector<16xf32>,
      %get3A_328 = arith.index_cast %add3A_299 : i32 to index
      %get3A_329 = arith.constant 48 : index
      %get3A_330 = tpu.vector_load %arg12[%get3A_328, %get3A_329] {strides = array<i32>} : memref<512x64xf32, #tpu.memory_space<vmem>>, vector<16xf32>,
      %mul3A_331 = arith.mulf %get3A_327, %get3A_330 : vector<16xf32>
      %add3A_332 = arith.addf %add3A_324, %mul3A_331 : vector<16xf32>
      %reduce_sum3A = arith.constant true
      %reduce_sum3A_333 = vector.broadcast %reduce_sum3A : i1 to vector<16xi1>
      %reduce_sum3A_334 = tpu.scan <sum>, %add3A_332 masked %reduce_sum3A_333 : vector<16xf32>, vector<16xi1> -> vector<16xf32>
      %reduce_sum3A_335 = vector.extract %reduce_sum3A_334[15] : f32 from vector<16xf32>
      %eq3A = arith.constant 0 : i32
      %eq3A_336 = vector.broadcast %eq3A : i32 to vector<16xi32>
      %eq3A_337 = arith.cmpi eq, %iota3A, %eq3A_336 : vector<16xi32>
      %broadcast_in_dim3A_338 = vector.broadcast %reduce_sum3A_335 : f32 to vector<16xf32>
      %select_n3A = arith.select %eq3A_337, %broadcast_in_dim3A_338, %broadcast_in_dim3A_297 : vector<16xi1>, vector<16xf32>
      %add3A_339 = arith.constant 1 : i32
      %add3A_340 = arith.addi %mul3A_296, %add3A_339 : i32
      %broadcast_in_dim3A_341 = arith.constant 0.000000e+00 : f32
      %broadcast_in_dim3A_342 = vector.broadcast %broadcast_in_dim3A_341 : f32 to vector<16xf32>
      %get3A_343 = arith.index_cast %add3A_340 : i32 to index
      %get3A_344 = arith.constant 0 : index
      %get3A_345 = tpu.vector_load %arg11[%get3A_343, %get3A_344] {strides = array<i32>} : memref<512x64xf32, #tpu.memory_space<vmem>>, vector<16xf32>,
      %get3A_346 = arith.index_cast %add3A_340 : i32 to index
      %get3A_347 = arith.constant 0 : index
      %get3A_348 = tpu.vector_load %arg12[%get3A_346, %get3A_347] {strides = array<i32>} : memref<512x64xf32, #tpu.memory_space<vmem>>, vector<16xf32>,
      %mul3A_349 = arith.mulf %get3A_345, %get3A_348 : vector<16xf32>
      %add3A_350 = arith.addf %broadcast_in_dim3A_342, %mul3A_349 : vector<16xf32>
      %get3A_351 = arith.index_cast %add3A_340 : i32 to index
      %get3A_352 = arith.constant 16 : index
      %get3A_353 = tpu.vector_load %arg11[%get3A_351, %get3A_352] {strides = array<i32>} : memref<512x64xf32, #tpu.memory_space<vmem>>, vector<16xf32>,
      %get3A_354 = arith.index_cast %add3A_340 : i32 to index
      %get3A_355 = arith.constant 16 : index
      %get3A_356 = tpu.vector_load %arg12[%get3A_354, %get3A_355] {strides = array<i32>} : memref<512x64xf32, #tpu.memory_space<vmem>>, vector<16xf32>,
      %mul3A_357 = arith.mulf %get3A_353, %get3A_356 : vector<16xf32>
      %add3A_358 = arith.addf %add3A_350, %mul3A_357 : vector<16xf32>
      %get3A_359 = arith.index_cast %add3A_340 : i32 to index
      %get3A_360 = arith.constant 32 : index
      %get3A_361 = tpu.vector_load %arg11[%get3A_359, %get3A_360] {strides = array<i32>} : memref<512x64xf32, #tpu.memory_space<vmem>>, vector<16xf32>,
      %get3A_362 = arith.index_cast %add3A_340 : i32 to index
      %get3A_363 = arith.constant 32 : index
      %get3A_364 = tpu.vector_load %arg12[%get3A_362, %get3A_363] {strides = array<i32>} : memref<512x64xf32, #tpu.memory_space<vmem>>, vector<16xf32>,
      %mul3A_365 = arith.mulf %get3A_361, %get3A_364 : vector<16xf32>
      %add3A_366 = arith.addf %add3A_358, %mul3A_365 : vector<16xf32>
      %get3A_367 = arith.index_cast %add3A_340 : i32 to index
      %get3A_368 = arith.constant 48 : index
      %get3A_369 = tpu.vector_load %arg11[%get3A_367, %get3A_368] {strides = array<i32>} : memref<512x64xf32, #tpu.memory_space<vmem>>, vector<16xf32>,
      %get3A_370 = arith.index_cast %add3A_340 : i32 to index
      %get3A_371 = arith.constant 48 : index
      %get3A_372 = tpu.vector_load %arg12[%get3A_370, %get3A_371] {strides = array<i32>} : memref<512x64xf32, #tpu.memory_space<vmem>>, vector<16xf32>,
      %mul3A_373 = arith.mulf %get3A_369, %get3A_372 : vector<16xf32>
      %add3A_374 = arith.addf %add3A_366, %mul3A_373 : vector<16xf32>
      %reduce_sum3A_375 = arith.constant true
      %reduce_sum3A_376 = vector.broadcast %reduce_sum3A_375 : i1 to vector<16xi1>
      %reduce_sum3A_377 = tpu.scan <sum>, %add3A_374 masked %reduce_sum3A_376 : vector<16xf32>, vector<16xi1> -> vector<16xf32>
      %reduce_sum3A_378 = vector.extract %reduce_sum3A_377[15] : f32 from vector<16xf32>
      %eq3A_379 = arith.constant 1 : i32
      %eq3A_380 = vector.broadcast %eq3A_379 : i32 to vector<16xi32>
      %eq3A_381 = arith.cmpi eq, %iota3A, %eq3A_380 : vector<16xi32>
      %broadcast_in_dim3A_382 = vector.broadcast %reduce_sum3A_378 : f32 to vector<16xf32>
      %select_n3A_383 = arith.select %eq3A_381, %broadcast_in_dim3A_382, %select_n3A : vector<16xi1>, vector<16xf32>
      %add3A_384 = arith.constant 2 : i32
      %add3A_385 = arith.addi %mul3A_296, %add3A_384 : i32
      %broadcast_in_dim3A_386 = arith.constant 0.000000e+00 : f32
      %broadcast_in_dim3A_387 = vector.broadcast %broadcast_in_dim3A_386 : f32 to vector<16xf32>
      %get3A_388 = arith.index_cast %add3A_385 : i32 to index
      %get3A_389 = arith.constant 0 : index
      %get3A_390 = tpu.vector_load %arg11[%get3A_388, %get3A_389] {strides = array<i32>} : memref<512x64xf32, #tpu.memory_space<vmem>>, vector<16xf32>,
      %get3A_391 = arith.index_cast %add3A_385 : i32 to index
      %get3A_392 = arith.constant 0 : index
      %get3A_393 = tpu.vector_load %arg12[%get3A_391, %get3A_392] {strides = array<i32>} : memref<512x64xf32, #tpu.memory_space<vmem>>, vector<16xf32>,
      %mul3A_394 = arith.mulf %get3A_390, %get3A_393 : vector<16xf32>
      %add3A_395 = arith.addf %broadcast_in_dim3A_387, %mul3A_394 : vector<16xf32>
      %get3A_396 = arith.index_cast %add3A_385 : i32 to index
      %get3A_397 = arith.constant 16 : index
      %get3A_398 = tpu.vector_load %arg11[%get3A_396, %get3A_397] {strides = array<i32>} : memref<512x64xf32, #tpu.memory_space<vmem>>, vector<16xf32>,
      %get3A_399 = arith.index_cast %add3A_385 : i32 to index
      %get3A_400 = arith.constant 16 : index
      %get3A_401 = tpu.vector_load %arg12[%get3A_399, %get3A_400] {strides = array<i32>} : memref<512x64xf32, #tpu.memory_space<vmem>>, vector<16xf32>,
      %mul3A_402 = arith.mulf %get3A_398, %get3A_401 : vector<16xf32>
      %add3A_403 = arith.addf %add3A_395, %mul3A_402 : vector<16xf32>
      %get3A_404 = arith.index_cast %add3A_385 : i32 to index
      %get3A_405 = arith.constant 32 : index
      %get3A_406 = tpu.vector_load %arg11[%get3A_404, %get3A_405] {strides = array<i32>} : memref<512x64xf32, #tpu.memory_space<vmem>>, vector<16xf32>,
      %get3A_407 = arith.index_cast %add3A_385 : i32 to index
      %get3A_408 = arith.constant 32 : index
      %get3A_409 = tpu.vector_load %arg12[%get3A_407, %get3A_408] {strides = array<i32>} : memref<512x64xf32, #tpu.memory_space<vmem>>, vector<16xf32>,
      %mul3A_410 = arith.mulf %get3A_406, %get3A_409 : vector<16xf32>
      %add3A_411 = arith.addf %add3A_403, %mul3A_410 : vector<16xf32>
      %get3A_412 = arith.index_cast %add3A_385 : i32 to index
      %get3A_413 = arith.constant 48 : index
      %get3A_414 = tpu.vector_load %arg11[%get3A_412, %get3A_413] {strides = array<i32>} : memref<512x64xf32, #tpu.memory_space<vmem>>, vector<16xf32>,
      %get3A_415 = arith.index_cast %add3A_385 : i32 to index
      %get3A_416 = arith.constant 48 : index
      %get3A_417 = tpu.vector_load %arg12[%get3A_415, %get3A_416] {strides = array<i32>} : memref<512x64xf32, #tpu.memory_space<vmem>>, vector<16xf32>,
      %mul3A_418 = arith.mulf %get3A_414, %get3A_417 : vector<16xf32>
      %add3A_419 = arith.addf %add3A_411, %mul3A_418 : vector<16xf32>
      %reduce_sum3A_420 = arith.constant true
      %reduce_sum3A_421 = vector.broadcast %reduce_sum3A_420 : i1 to vector<16xi1>
      %reduce_sum3A_422 = tpu.scan <sum>, %add3A_419 masked %reduce_sum3A_421 : vector<16xf32>, vector<16xi1> -> vector<16xf32>
      %reduce_sum3A_423 = vector.extract %reduce_sum3A_422[15] : f32 from vector<16xf32>
      %eq3A_424 = arith.constant 2 : i32
      %eq3A_425 = vector.broadcast %eq3A_424 : i32 to vector<16xi32>
      %eq3A_426 = arith.cmpi eq, %iota3A, %eq3A_425 : vector<16xi32>
      %broadcast_in_dim3A_427 = vector.broadcast %reduce_sum3A_423 : f32 to vector<16xf32>
      %select_n3A_428 = arith.select %eq3A_426, %broadcast_in_dim3A_427, %select_n3A_383 : vector<16xi1>, vector<16xf32>
      %add3A_429 = arith.constant 3 : i32
      %add3A_430 = arith.addi %mul3A_296, %add3A_429 : i32
      %broadcast_in_dim3A_431 = arith.constant 0.000000e+00 : f32
      %broadcast_in_dim3A_432 = vector.broadcast %broadcast_in_dim3A_431 : f32 to vector<16xf32>
      %get3A_433 = arith.index_cast %add3A_430 : i32 to index
      %get3A_434 = arith.constant 0 : index
      %get3A_435 = tpu.vector_load %arg11[%get3A_433, %get3A_434] {strides = array<i32>} : memref<512x64xf32, #tpu.memory_space<vmem>>, vector<16xf32>,
      %get3A_436 = arith.index_cast %add3A_430 : i32 to index
      %get3A_437 = arith.constant 0 : index
      %get3A_438 = tpu.vector_load %arg12[%get3A_436, %get3A_437] {strides = array<i32>} : memref<512x64xf32, #tpu.memory_space<vmem>>, vector<16xf32>,
      %mul3A_439 = arith.mulf %get3A_435, %get3A_438 : vector<16xf32>
      %add3A_440 = arith.addf %broadcast_in_dim3A_432, %mul3A_439 : vector<16xf32>
      %get3A_441 = arith.index_cast %add3A_430 : i32 to index
      %get3A_442 = arith.constant 16 : index
      %get3A_443 = tpu.vector_load %arg11[%get3A_441, %get3A_442] {strides = array<i32>} : memref<512x64xf32, #tpu.memory_space<vmem>>, vector<16xf32>,
      %get3A_444 = arith.index_cast %add3A_430 : i32 to index
      %get3A_445 = arith.constant 16 : index
      %get3A_446 = tpu.vector_load %arg12[%get3A_444, %get3A_445] {strides = array<i32>} : memref<512x64xf32, #tpu.memory_space<vmem>>, vector<16xf32>,
      %mul3A_447 = arith.mulf %get3A_443, %get3A_446 : vector<16xf32>
      %add3A_448 = arith.addf %add3A_440, %mul3A_447 : vector<16xf32>
      %get3A_449 = arith.index_cast %add3A_430 : i32 to index
      %get3A_450 = arith.constant 32 : index
      %get3A_451 = tpu.vector_load %arg11[%get3A_449, %get3A_450] {strides = array<i32>} : memref<512x64xf32, #tpu.memory_space<vmem>>, vector<16xf32>,
      %get3A_452 = arith.index_cast %add3A_430 : i32 to index
      %get3A_453 = arith.constant 32 : index
      %get3A_454 = tpu.vector_load %arg12[%get3A_452, %get3A_453] {strides = array<i32>} : memref<512x64xf32, #tpu.memory_space<vmem>>, vector<16xf32>,
      %mul3A_455 = arith.mulf %get3A_451, %get3A_454 : vector<16xf32>
      %add3A_456 = arith.addf %add3A_448, %mul3A_455 : vector<16xf32>
      %get3A_457 = arith.index_cast %add3A_430 : i32 to index
      %get3A_458 = arith.constant 48 : index
      %get3A_459 = tpu.vector_load %arg11[%get3A_457, %get3A_458] {strides = array<i32>} : memref<512x64xf32, #tpu.memory_space<vmem>>, vector<16xf32>,
      %get3A_460 = arith.index_cast %add3A_430 : i32 to index
      %get3A_461 = arith.constant 48 : index
      %get3A_462 = tpu.vector_load %arg12[%get3A_460, %get3A_461] {strides = array<i32>} : memref<512x64xf32, #tpu.memory_space<vmem>>, vector<16xf32>,
      %mul3A_463 = arith.mulf %get3A_459, %get3A_462 : vector<16xf32>
      %add3A_464 = arith.addf %add3A_456, %mul3A_463 : vector<16xf32>
      %reduce_sum3A_465 = arith.constant true
      %reduce_sum3A_466 = vector.broadcast %reduce_sum3A_465 : i1 to vector<16xi1>
      %reduce_sum3A_467 = tpu.scan <sum>, %add3A_464 masked %reduce_sum3A_466 : vector<16xf32>, vector<16xi1> -> vector<16xf32>
      %reduce_sum3A_468 = vector.extract %reduce_sum3A_467[15] : f32 from vector<16xf32>
      %eq3A_469 = arith.constant 3 : i32
      %eq3A_470 = vector.broadcast %eq3A_469 : i32 to vector<16xi32>
      %eq3A_471 = arith.cmpi eq, %iota3A, %eq3A_470 : vector<16xi32>
      %broadcast_in_dim3A_472 = vector.broadcast %reduce_sum3A_468 : f32 to vector<16xf32>
      %select_n3A_473 = arith.select %eq3A_471, %broadcast_in_dim3A_472, %select_n3A_428 : vector<16xi1>, vector<16xf32>
      %add3A_474 = arith.constant 4 : i32
      %add3A_475 = arith.addi %mul3A_296, %add3A_474 : i32
      %broadcast_in_dim3A_476 = arith.constant 0.000000e+00 : f32
      %broadcast_in_dim3A_477 = vector.broadcast %broadcast_in_dim3A_476 : f32 to vector<16xf32>
      %get3A_478 = arith.index_cast %add3A_475 : i32 to index
      %get3A_479 = arith.constant 0 : index
      %get3A_480 = tpu.vector_load %arg11[%get3A_478, %get3A_479] {strides = array<i32>} : memref<512x64xf32, #tpu.memory_space<vmem>>, vector<16xf32>,
      %get3A_481 = arith.index_cast %add3A_475 : i32 to index
      %get3A_482 = arith.constant 0 : index
      %get3A_483 = tpu.vector_load %arg12[%get3A_481, %get3A_482] {strides = array<i32>} : memref<512x64xf32, #tpu.memory_space<vmem>>, vector<16xf32>,
      %mul3A_484 = arith.mulf %get3A_480, %get3A_483 : vector<16xf32>
      %add3A_485 = arith.addf %broadcast_in_dim3A_477, %mul3A_484 : vector<16xf32>
      %get3A_486 = arith.index_cast %add3A_475 : i32 to index
      %get3A_487 = arith.constant 16 : index
      %get3A_488 = tpu.vector_load %arg11[%get3A_486, %get3A_487] {strides = array<i32>} : memref<512x64xf32, #tpu.memory_space<vmem>>, vector<16xf32>,
      %get3A_489 = arith.index_cast %add3A_475 : i32 to index
      %get3A_490 = arith.constant 16 : index
      %get3A_491 = tpu.vector_load %arg12[%get3A_489, %get3A_490] {strides = array<i32>} : memref<512x64xf32, #tpu.memory_space<vmem>>, vector<16xf32>,
      %mul3A_492 = arith.mulf %get3A_488, %get3A_491 : vector<16xf32>
      %add3A_493 = arith.addf %add3A_485, %mul3A_492 : vector<16xf32>
      %get3A_494 = arith.index_cast %add3A_475 : i32 to index
      %get3A_495 = arith.constant 32 : index
      %get3A_496 = tpu.vector_load %arg11[%get3A_494, %get3A_495] {strides = array<i32>} : memref<512x64xf32, #tpu.memory_space<vmem>>, vector<16xf32>,
      %get3A_497 = arith.index_cast %add3A_475 : i32 to index
      %get3A_498 = arith.constant 32 : index
      %get3A_499 = tpu.vector_load %arg12[%get3A_497, %get3A_498] {strides = array<i32>} : memref<512x64xf32, #tpu.memory_space<vmem>>, vector<16xf32>,
      %mul3A_500 = arith.mulf %get3A_496, %get3A_499 : vector<16xf32>
      %add3A_501 = arith.addf %add3A_493, %mul3A_500 : vector<16xf32>
      %get3A_502 = arith.index_cast %add3A_475 : i32 to index
      %get3A_503 = arith.constant 48 : index
      %get3A_504 = tpu.vector_load %arg11[%get3A_502, %get3A_503] {strides = array<i32>} : memref<512x64xf32, #tpu.memory_space<vmem>>, vector<16xf32>,
      %get3A_505 = arith.index_cast %add3A_475 : i32 to index
      %get3A_506 = arith.constant 48 : index
      %get3A_507 = tpu.vector_load %arg12[%get3A_505, %get3A_506] {strides = array<i32>} : memref<512x64xf32, #tpu.memory_space<vmem>>, vector<16xf32>,
      %mul3A_508 = arith.mulf %get3A_504, %get3A_507 : vector<16xf32>
      %add3A_509 = arith.addf %add3A_501, %mul3A_508 : vector<16xf32>
      %reduce_sum3A_510 = arith.constant true
      %reduce_sum3A_511 = vector.broadcast %reduce_sum3A_510 : i1 to vector<16xi1>
      %reduce_sum3A_512 = tpu.scan <sum>, %add3A_509 masked %reduce_sum3A_511 : vector<16xf32>, vector<16xi1> -> vector<16xf32>
      %reduce_sum3A_513 = vector.extract %reduce_sum3A_512[15] : f32 from vector<16xf32>
      %eq3A_514 = arith.constant 4 : i32
      %eq3A_515 = vector.broadcast %eq3A_514 : i32 to vector<16xi32>
      %eq3A_516 = arith.cmpi eq, %iota3A, %eq3A_515 : vector<16xi32>
      %broadcast_in_dim3A_517 = vector.broadcast %reduce_sum3A_513 : f32 to vector<16xf32>
      %select_n3A_518 = arith.select %eq3A_516, %broadcast_in_dim3A_517, %select_n3A_473 : vector<16xi1>, vector<16xf32>
      %add3A_519 = arith.constant 5 : i32
      %add3A_520 = arith.addi %mul3A_296, %add3A_519 : i32
      %broadcast_in_dim3A_521 = arith.constant 0.000000e+00 : f32
      %broadcast_in_dim3A_522 = vector.broadcast %broadcast_in_dim3A_521 : f32 to vector<16xf32>
      %get3A_523 = arith.index_cast %add3A_520 : i32 to index
      %get3A_524 = arith.constant 0 : index
      %get3A_525 = tpu.vector_load %arg11[%get3A_523, %get3A_524] {strides = array<i32>} : memref<512x64xf32, #tpu.memory_space<vmem>>, vector<16xf32>,
      %get3A_526 = arith.index_cast %add3A_520 : i32 to index
      %get3A_527 = arith.constant 0 : index
      %get3A_528 = tpu.vector_load %arg12[%get3A_526, %get3A_527] {strides = array<i32>} : memref<512x64xf32, #tpu.memory_space<vmem>>, vector<16xf32>,
      %mul3A_529 = arith.mulf %get3A_525, %get3A_528 : vector<16xf32>
      %add3A_530 = arith.addf %broadcast_in_dim3A_522, %mul3A_529 : vector<16xf32>
      %get3A_531 = arith.index_cast %add3A_520 : i32 to index
      %get3A_532 = arith.constant 16 : index
      %get3A_533 = tpu.vector_load %arg11[%get3A_531, %get3A_532] {strides = array<i32>} : memref<512x64xf32, #tpu.memory_space<vmem>>, vector<16xf32>,
      %get3A_534 = arith.index_cast %add3A_520 : i32 to index
      %get3A_535 = arith.constant 16 : index
      %get3A_536 = tpu.vector_load %arg12[%get3A_534, %get3A_535] {strides = array<i32>} : memref<512x64xf32, #tpu.memory_space<vmem>>, vector<16xf32>,
      %mul3A_537 = arith.mulf %get3A_533, %get3A_536 : vector<16xf32>
      %add3A_538 = arith.addf %add3A_530, %mul3A_537 : vector<16xf32>
      %get3A_539 = arith.index_cast %add3A_520 : i32 to index
      %get3A_540 = arith.constant 32 : index
      %get3A_541 = tpu.vector_load %arg11[%get3A_539, %get3A_540] {strides = array<i32>} : memref<512x64xf32, #tpu.memory_space<vmem>>, vector<16xf32>,
      %get3A_542 = arith.index_cast %add3A_520 : i32 to index
      %get3A_543 = arith.constant 32 : index
      %get3A_544 = tpu.vector_load %arg12[%get3A_542, %get3A_543] {strides = array<i32>} : memref<512x64xf32, #tpu.memory_space<vmem>>, vector<16xf32>,
      %mul3A_545 = arith.mulf %get3A_541, %get3A_544 : vector<16xf32>
      %add3A_546 = arith.addf %add3A_538, %mul3A_545 : vector<16xf32>
      %get3A_547 = arith.index_cast %add3A_520 : i32 to index
      %get3A_548 = arith.constant 48 : index
      %get3A_549 = tpu.vector_load %arg11[%get3A_547, %get3A_548] {strides = array<i32>} : memref<512x64xf32, #tpu.memory_space<vmem>>, vector<16xf32>,
      %get3A_550 = arith.index_cast %add3A_520 : i32 to index
      %get3A_551 = arith.constant 48 : index
      %get3A_552 = tpu.vector_load %arg12[%get3A_550, %get3A_551] {strides = array<i32>} : memref<512x64xf32, #tpu.memory_space<vmem>>, vector<16xf32>,
      %mul3A_553 = arith.mulf %get3A_549, %get3A_552 : vector<16xf32>
      %add3A_554 = arith.addf %add3A_546, %mul3A_553 : vector<16xf32>
      %reduce_sum3A_555 = arith.constant true
      %reduce_sum3A_556 = vector.broadcast %reduce_sum3A_555 : i1 to vector<16xi1>
      %reduce_sum3A_557 = tpu.scan <sum>, %add3A_554 masked %reduce_sum3A_556 : vector<16xf32>, vector<16xi1> -> vector<16xf32>
      %reduce_sum3A_558 = vector.extract %reduce_sum3A_557[15] : f32 from vector<16xf32>
      %eq3A_559 = arith.constant 5 : i32
      %eq3A_560 = vector.broadcast %eq3A_559 : i32 to vector<16xi32>
      %eq3A_561 = arith.cmpi eq, %iota3A, %eq3A_560 : vector<16xi32>
      %broadcast_in_dim3A_562 = vector.broadcast %reduce_sum3A_558 : f32 to vector<16xf32>
      %select_n3A_563 = arith.select %eq3A_561, %broadcast_in_dim3A_562, %select_n3A_518 : vector<16xi1>, vector<16xf32>
      %add3A_564 = arith.constant 6 : i32
      %add3A_565 = arith.addi %mul3A_296, %add3A_564 : i32
      %broadcast_in_dim3A_566 = arith.constant 0.000000e+00 : f32
      %broadcast_in_dim3A_567 = vector.broadcast %broadcast_in_dim3A_566 : f32 to vector<16xf32>
      %get3A_568 = arith.index_cast %add3A_565 : i32 to index
      %get3A_569 = arith.constant 0 : index
      %get3A_570 = tpu.vector_load %arg11[%get3A_568, %get3A_569] {strides = array<i32>} : memref<512x64xf32, #tpu.memory_space<vmem>>, vector<16xf32>,
      %get3A_571 = arith.index_cast %add3A_565 : i32 to index
      %get3A_572 = arith.constant 0 : index
      %get3A_573 = tpu.vector_load %arg12[%get3A_571, %get3A_572] {strides = array<i32>} : memref<512x64xf32, #tpu.memory_space<vmem>>, vector<16xf32>,
      %mul3A_574 = arith.mulf %get3A_570, %get3A_573 : vector<16xf32>
      %add3A_575 = arith.addf %broadcast_in_dim3A_567, %mul3A_574 : vector<16xf32>
      %get3A_576 = arith.index_cast %add3A_565 : i32 to index
      %get3A_577 = arith.constant 16 : index
      %get3A_578 = tpu.vector_load %arg11[%get3A_576, %get3A_577] {strides = array<i32>} : memref<512x64xf32, #tpu.memory_space<vmem>>, vector<16xf32>,
      %get3A_579 = arith.index_cast %add3A_565 : i32 to index
      %get3A_580 = arith.constant 16 : index
      %get3A_581 = tpu.vector_load %arg12[%get3A_579, %get3A_580] {strides = array<i32>} : memref<512x64xf32, #tpu.memory_space<vmem>>, vector<16xf32>,
      %mul3A_582 = arith.mulf %get3A_578, %get3A_581 : vector<16xf32>
      %add3A_583 = arith.addf %add3A_575, %mul3A_582 : vector<16xf32>
      %get3A_584 = arith.index_cast %add3A_565 : i32 to index
      %get3A_585 = arith.constant 32 : index
      %get3A_586 = tpu.vector_load %arg11[%get3A_584, %get3A_585] {strides = array<i32>} : memref<512x64xf32, #tpu.memory_space<vmem>>, vector<16xf32>,
      %get3A_587 = arith.index_cast %add3A_565 : i32 to index
      %get3A_588 = arith.constant 32 : index
      %get3A_589 = tpu.vector_load %arg12[%get3A_587, %get3A_588] {strides = array<i32>} : memref<512x64xf32, #tpu.memory_space<vmem>>, vector<16xf32>,
      %mul3A_590 = arith.mulf %get3A_586, %get3A_589 : vector<16xf32>
      %add3A_591 = arith.addf %add3A_583, %mul3A_590 : vector<16xf32>
      %get3A_592 = arith.index_cast %add3A_565 : i32 to index
      %get3A_593 = arith.constant 48 : index
      %get3A_594 = tpu.vector_load %arg11[%get3A_592, %get3A_593] {strides = array<i32>} : memref<512x64xf32, #tpu.memory_space<vmem>>, vector<16xf32>,
      %get3A_595 = arith.index_cast %add3A_565 : i32 to index
      %get3A_596 = arith.constant 48 : index
      %get3A_597 = tpu.vector_load %arg12[%get3A_595, %get3A_596] {strides = array<i32>} : memref<512x64xf32, #tpu.memory_space<vmem>>, vector<16xf32>,
      %mul3A_598 = arith.mulf %get3A_594, %get3A_597 : vector<16xf32>
      %add3A_599 = arith.addf %add3A_591, %mul3A_598 : vector<16xf32>
      %reduce_sum3A_600 = arith.constant true
      %reduce_sum3A_601 = vector.broadcast %reduce_sum3A_600 : i1 to vector<16xi1>
      %reduce_sum3A_602 = tpu.scan <sum>, %add3A_599 masked %reduce_sum3A_601 : vector<16xf32>, vector<16xi1> -> vector<16xf32>
      %reduce_sum3A_603 = vector.extract %reduce_sum3A_602[15] : f32 from vector<16xf32>
      %eq3A_604 = arith.constant 6 : i32
      %eq3A_605 = vector.broadcast %eq3A_604 : i32 to vector<16xi32>
      %eq3A_606 = arith.cmpi eq, %iota3A, %eq3A_605 : vector<16xi32>
      %broadcast_in_dim3A_607 = vector.broadcast %reduce_sum3A_603 : f32 to vector<16xf32>
      %select_n3A_608 = arith.select %eq3A_606, %broadcast_in_dim3A_607, %select_n3A_563 : vector<16xi1>, vector<16xf32>
      %add3A_609 = arith.constant 7 : i32
      %add3A_610 = arith.addi %mul3A_296, %add3A_609 : i32
      %broadcast_in_dim3A_611 = arith.constant 0.000000e+00 : f32
      %broadcast_in_dim3A_612 = vector.broadcast %broadcast_in_dim3A_611 : f32 to vector<16xf32>
      %get3A_613 = arith.index_cast %add3A_610 : i32 to index
      %get3A_614 = arith.constant 0 : index
      %get3A_615 = tpu.vector_load %arg11[%get3A_613, %get3A_614] {strides = array<i32>} : memref<512x64xf32, #tpu.memory_space<vmem>>, vector<16xf32>,
      %get3A_616 = arith.index_cast %add3A_610 : i32 to index
      %get3A_617 = arith.constant 0 : index
      %get3A_618 = tpu.vector_load %arg12[%get3A_616, %get3A_617] {strides = array<i32>} : memref<512x64xf32, #tpu.memory_space<vmem>>, vector<16xf32>,
      %mul3A_619 = arith.mulf %get3A_615, %get3A_618 : vector<16xf32>
      %add3A_620 = arith.addf %broadcast_in_dim3A_612, %mul3A_619 : vector<16xf32>
      %get3A_621 = arith.index_cast %add3A_610 : i32 to index
      %get3A_622 = arith.constant 16 : index
      %get3A_623 = tpu.vector_load %arg11[%get3A_621, %get3A_622] {strides = array<i32>} : memref<512x64xf32, #tpu.memory_space<vmem>>, vector<16xf32>,
      %get3A_624 = arith.index_cast %add3A_610 : i32 to index
      %get3A_625 = arith.constant 16 : index
      %get3A_626 = tpu.vector_load %arg12[%get3A_624, %get3A_625] {strides = array<i32>} : memref<512x64xf32, #tpu.memory_space<vmem>>, vector<16xf32>,
      %mul3A_627 = arith.mulf %get3A_623, %get3A_626 : vector<16xf32>
      %add3A_628 = arith.addf %add3A_620, %mul3A_627 : vector<16xf32>
      %get3A_629 = arith.index_cast %add3A_610 : i32 to index
      %get3A_630 = arith.constant 32 : index
      %get3A_631 = tpu.vector_load %arg11[%get3A_629, %get3A_630] {strides = array<i32>} : memref<512x64xf32, #tpu.memory_space<vmem>>, vector<16xf32>,
      %get3A_632 = arith.index_cast %add3A_610 : i32 to index
      %get3A_633 = arith.constant 32 : index
      %get3A_634 = tpu.vector_load %arg12[%get3A_632, %get3A_633] {strides = array<i32>} : memref<512x64xf32, #tpu.memory_space<vmem>>, vector<16xf32>,
      %mul3A_635 = arith.mulf %get3A_631, %get3A_634 : vector<16xf32>
      %add3A_636 = arith.addf %add3A_628, %mul3A_635 : vector<16xf32>
      %get3A_637 = arith.index_cast %add3A_610 : i32 to index
      %get3A_638 = arith.constant 48 : index
      %get3A_639 = tpu.vector_load %arg11[%get3A_637, %get3A_638] {strides = array<i32>} : memref<512x64xf32, #tpu.memory_space<vmem>>, vector<16xf32>,
      %get3A_640 = arith.index_cast %add3A_610 : i32 to index
      %get3A_641 = arith.constant 48 : index
      %get3A_642 = tpu.vector_load %arg12[%get3A_640, %get3A_641] {strides = array<i32>} : memref<512x64xf32, #tpu.memory_space<vmem>>, vector<16xf32>,
      %mul3A_643 = arith.mulf %get3A_639, %get3A_642 : vector<16xf32>
      %add3A_644 = arith.addf %add3A_636, %mul3A_643 : vector<16xf32>
      %reduce_sum3A_645 = arith.constant true
      %reduce_sum3A_646 = vector.broadcast %reduce_sum3A_645 : i1 to vector<16xi1>
      %reduce_sum3A_647 = tpu.scan <sum>, %add3A_644 masked %reduce_sum3A_646 : vector<16xf32>, vector<16xi1> -> vector<16xf32>
      %reduce_sum3A_648 = vector.extract %reduce_sum3A_647[15] : f32 from vector<16xf32>
      %eq3A_649 = arith.constant 7 : i32
      %eq3A_650 = vector.broadcast %eq3A_649 : i32 to vector<16xi32>
      %eq3A_651 = arith.cmpi eq, %iota3A, %eq3A_650 : vector<16xi32>
      %broadcast_in_dim3A_652 = vector.broadcast %reduce_sum3A_648 : f32 to vector<16xf32>
      %select_n3A_653 = arith.select %eq3A_651, %broadcast_in_dim3A_652, %select_n3A_608 : vector<16xi1>, vector<16xf32>
      %add3A_654 = arith.constant 8 : i32
      %add3A_655 = arith.addi %mul3A_296, %add3A_654 : i32
      %broadcast_in_dim3A_656 = arith.constant 0.000000e+00 : f32
      %broadcast_in_dim3A_657 = vector.broadcast %broadcast_in_dim3A_656 : f32 to vector<16xf32>
      %get3A_658 = arith.index_cast %add3A_655 : i32 to index
      %get3A_659 = arith.constant 0 : index
      %get3A_660 = tpu.vector_load %arg11[%get3A_658, %get3A_659] {strides = array<i32>} : memref<512x64xf32, #tpu.memory_space<vmem>>, vector<16xf32>,
      %get3A_661 = arith.index_cast %add3A_655 : i32 to index
      %get3A_662 = arith.constant 0 : index
      %get3A_663 = tpu.vector_load %arg12[%get3A_661, %get3A_662] {strides = array<i32>} : memref<512x64xf32, #tpu.memory_space<vmem>>, vector<16xf32>,
      %mul3A_664 = arith.mulf %get3A_660, %get3A_663 : vector<16xf32>
      %add3A_665 = arith.addf %broadcast_in_dim3A_657, %mul3A_664 : vector<16xf32>
      %get3A_666 = arith.index_cast %add3A_655 : i32 to index
      %get3A_667 = arith.constant 16 : index
      %get3A_668 = tpu.vector_load %arg11[%get3A_666, %get3A_667] {strides = array<i32>} : memref<512x64xf32, #tpu.memory_space<vmem>>, vector<16xf32>,
      %get3A_669 = arith.index_cast %add3A_655 : i32 to index
      %get3A_670 = arith.constant 16 : index
      %get3A_671 = tpu.vector_load %arg12[%get3A_669, %get3A_670] {strides = array<i32>} : memref<512x64xf32, #tpu.memory_space<vmem>>, vector<16xf32>,
      %mul3A_672 = arith.mulf %get3A_668, %get3A_671 : vector<16xf32>
      %add3A_673 = arith.addf %add3A_665, %mul3A_672 : vector<16xf32>
      %get3A_674 = arith.index_cast %add3A_655 : i32 to index
      %get3A_675 = arith.constant 32 : index
      %get3A_676 = tpu.vector_load %arg11[%get3A_674, %get3A_675] {strides = array<i32>} : memref<512x64xf32, #tpu.memory_space<vmem>>, vector<16xf32>,
      %get3A_677 = arith.index_cast %add3A_655 : i32 to index
      %get3A_678 = arith.constant 32 : index
      %get3A_679 = tpu.vector_load %arg12[%get3A_677, %get3A_678] {strides = array<i32>} : memref<512x64xf32, #tpu.memory_space<vmem>>, vector<16xf32>,
      %mul3A_680 = arith.mulf %get3A_676, %get3A_679 : vector<16xf32>
      %add3A_681 = arith.addf %add3A_673, %mul3A_680 : vector<16xf32>
      %get3A_682 = arith.index_cast %add3A_655 : i32 to index
      %get3A_683 = arith.constant 48 : index
      %get3A_684 = tpu.vector_load %arg11[%get3A_682, %get3A_683] {strides = array<i32>} : memref<512x64xf32, #tpu.memory_space<vmem>>, vector<16xf32>,
      %get3A_685 = arith.index_cast %add3A_655 : i32 to index
      %get3A_686 = arith.constant 48 : index
      %get3A_687 = tpu.vector_load %arg12[%get3A_685, %get3A_686] {strides = array<i32>} : memref<512x64xf32, #tpu.memory_space<vmem>>, vector<16xf32>,
      %mul3A_688 = arith.mulf %get3A_684, %get3A_687 : vector<16xf32>
      %add3A_689 = arith.addf %add3A_681, %mul3A_688 : vector<16xf32>
      %reduce_sum3A_690 = arith.constant true
      %reduce_sum3A_691 = vector.broadcast %reduce_sum3A_690 : i1 to vector<16xi1>
      %reduce_sum3A_692 = tpu.scan <sum>, %add3A_689 masked %reduce_sum3A_691 : vector<16xf32>, vector<16xi1> -> vector<16xf32>
      %reduce_sum3A_693 = vector.extract %reduce_sum3A_692[15] : f32 from vector<16xf32>
      %eq3A_694 = arith.constant 8 : i32
      %eq3A_695 = vector.broadcast %eq3A_694 : i32 to vector<16xi32>
      %eq3A_696 = arith.cmpi eq, %iota3A, %eq3A_695 : vector<16xi32>
      %broadcast_in_dim3A_697 = vector.broadcast %reduce_sum3A_693 : f32 to vector<16xf32>
      %select_n3A_698 = arith.select %eq3A_696, %broadcast_in_dim3A_697, %select_n3A_653 : vector<16xi1>, vector<16xf32>
      %add3A_699 = arith.constant 9 : i32
      %add3A_700 = arith.addi %mul3A_296, %add3A_699 : i32
      %broadcast_in_dim3A_701 = arith.constant 0.000000e+00 : f32
      %broadcast_in_dim3A_702 = vector.broadcast %broadcast_in_dim3A_701 : f32 to vector<16xf32>
      %get3A_703 = arith.index_cast %add3A_700 : i32 to index
      %get3A_704 = arith.constant 0 : index
      %get3A_705 = tpu.vector_load %arg11[%get3A_703, %get3A_704] {strides = array<i32>} : memref<512x64xf32, #tpu.memory_space<vmem>>, vector<16xf32>,
      %get3A_706 = arith.index_cast %add3A_700 : i32 to index
      %get3A_707 = arith.constant 0 : index
      %get3A_708 = tpu.vector_load %arg12[%get3A_706, %get3A_707] {strides = array<i32>} : memref<512x64xf32, #tpu.memory_space<vmem>>, vector<16xf32>,
      %mul3A_709 = arith.mulf %get3A_705, %get3A_708 : vector<16xf32>
      %add3A_710 = arith.addf %broadcast_in_dim3A_702, %mul3A_709 : vector<16xf32>
      %get3A_711 = arith.index_cast %add3A_700 : i32 to index
      %get3A_712 = arith.constant 16 : index
      %get3A_713 = tpu.vector_load %arg11[%get3A_711, %get3A_712] {strides = array<i32>} : memref<512x64xf32, #tpu.memory_space<vmem>>, vector<16xf32>,
      %get3A_714 = arith.index_cast %add3A_700 : i32 to index
      %get3A_715 = arith.constant 16 : index
      %get3A_716 = tpu.vector_load %arg12[%get3A_714, %get3A_715] {strides = array<i32>} : memref<512x64xf32, #tpu.memory_space<vmem>>, vector<16xf32>,
      %mul3A_717 = arith.mulf %get3A_713, %get3A_716 : vector<16xf32>
      %add3A_718 = arith.addf %add3A_710, %mul3A_717 : vector<16xf32>
      %get3A_719 = arith.index_cast %add3A_700 : i32 to index
      %get3A_720 = arith.constant 32 : index
      %get3A_721 = tpu.vector_load %arg11[%get3A_719, %get3A_720] {strides = array<i32>} : memref<512x64xf32, #tpu.memory_space<vmem>>, vector<16xf32>,
      %get3A_722 = arith.index_cast %add3A_700 : i32 to index
      %get3A_723 = arith.constant 32 : index
      %get3A_724 = tpu.vector_load %arg12[%get3A_722, %get3A_723] {strides = array<i32>} : memref<512x64xf32, #tpu.memory_space<vmem>>, vector<16xf32>,
      %mul3A_725 = arith.mulf %get3A_721, %get3A_724 : vector<16xf32>
      %add3A_726 = arith.addf %add3A_718, %mul3A_725 : vector<16xf32>
      %get3A_727 = arith.index_cast %add3A_700 : i32 to index
      %get3A_728 = arith.constant 48 : index
      %get3A_729 = tpu.vector_load %arg11[%get3A_727, %get3A_728] {strides = array<i32>} : memref<512x64xf32, #tpu.memory_space<vmem>>, vector<16xf32>,
      %get3A_730 = arith.index_cast %add3A_700 : i32 to index
      %get3A_731 = arith.constant 48 : index
      %get3A_732 = tpu.vector_load %arg12[%get3A_730, %get3A_731] {strides = array<i32>} : memref<512x64xf32, #tpu.memory_space<vmem>>, vector<16xf32>,
      %mul3A_733 = arith.mulf %get3A_729, %get3A_732 : vector<16xf32>
      %add3A_734 = arith.addf %add3A_726, %mul3A_733 : vector<16xf32>
      %reduce_sum3A_735 = arith.constant true
      %reduce_sum3A_736 = vector.broadcast %reduce_sum3A_735 : i1 to vector<16xi1>
      %reduce_sum3A_737 = tpu.scan <sum>, %add3A_734 masked %reduce_sum3A_736 : vector<16xf32>, vector<16xi1> -> vector<16xf32>
      %reduce_sum3A_738 = vector.extract %reduce_sum3A_737[15] : f32 from vector<16xf32>
      %eq3A_739 = arith.constant 9 : i32
      %eq3A_740 = vector.broadcast %eq3A_739 : i32 to vector<16xi32>
      %eq3A_741 = arith.cmpi eq, %iota3A, %eq3A_740 : vector<16xi32>
      %broadcast_in_dim3A_742 = vector.broadcast %reduce_sum3A_738 : f32 to vector<16xf32>
      %select_n3A_743 = arith.select %eq3A_741, %broadcast_in_dim3A_742, %select_n3A_698 : vector<16xi1>, vector<16xf32>
      %add3A_744 = arith.constant 10 : i32
      %add3A_745 = arith.addi %mul3A_296, %add3A_744 : i32
      %broadcast_in_dim3A_746 = arith.constant 0.000000e+00 : f32
      %broadcast_in_dim3A_747 = vector.broadcast %broadcast_in_dim3A_746 : f32 to vector<16xf32>
      %get3A_748 = arith.index_cast %add3A_745 : i32 to index
      %get3A_749 = arith.constant 0 : index
      %get3A_750 = tpu.vector_load %arg11[%get3A_748, %get3A_749] {strides = array<i32>} : memref<512x64xf32, #tpu.memory_space<vmem>>, vector<16xf32>,
      %get3A_751 = arith.index_cast %add3A_745 : i32 to index
      %get3A_752 = arith.constant 0 : index
      %get3A_753 = tpu.vector_load %arg12[%get3A_751, %get3A_752] {strides = array<i32>} : memref<512x64xf32, #tpu.memory_space<vmem>>, vector<16xf32>,
      %mul3A_754 = arith.mulf %get3A_750, %get3A_753 : vector<16xf32>
      %add3A_755 = arith.addf %broadcast_in_dim3A_747, %mul3A_754 : vector<16xf32>
      %get3A_756 = arith.index_cast %add3A_745 : i32 to index
      %get3A_757 = arith.constant 16 : index
      %get3A_758 = tpu.vector_load %arg11[%get3A_756, %get3A_757] {strides = array<i32>} : memref<512x64xf32, #tpu.memory_space<vmem>>, vector<16xf32>,
      %get3A_759 = arith.index_cast %add3A_745 : i32 to index
      %get3A_760 = arith.constant 16 : index
      %get3A_761 = tpu.vector_load %arg12[%get3A_759, %get3A_760] {strides = array<i32>} : memref<512x64xf32, #tpu.memory_space<vmem>>, vector<16xf32>,
      %mul3A_762 = arith.mulf %get3A_758, %get3A_761 : vector<16xf32>
      %add3A_763 = arith.addf %add3A_755, %mul3A_762 : vector<16xf32>
      %get3A_764 = arith.index_cast %add3A_745 : i32 to index
      %get3A_765 = arith.constant 32 : index
      %get3A_766 = tpu.vector_load %arg11[%get3A_764, %get3A_765] {strides = array<i32>} : memref<512x64xf32, #tpu.memory_space<vmem>>, vector<16xf32>,
      %get3A_767 = arith.index_cast %add3A_745 : i32 to index
      %get3A_768 = arith.constant 32 : index
      %get3A_769 = tpu.vector_load %arg12[%get3A_767, %get3A_768] {strides = array<i32>} : memref<512x64xf32, #tpu.memory_space<vmem>>, vector<16xf32>,
      %mul3A_770 = arith.mulf %get3A_766, %get3A_769 : vector<16xf32>
      %add3A_771 = arith.addf %add3A_763, %mul3A_770 : vector<16xf32>
      %get3A_772 = arith.index_cast %add3A_745 : i32 to index
      %get3A_773 = arith.constant 48 : index
      %get3A_774 = tpu.vector_load %arg11[%get3A_772, %get3A_773] {strides = array<i32>} : memref<512x64xf32, #tpu.memory_space<vmem>>, vector<16xf32>,
      %get3A_775 = arith.index_cast %add3A_745 : i32 to index
      %get3A_776 = arith.constant 48 : index
      %get3A_777 = tpu.vector_load %arg12[%get3A_775, %get3A_776] {strides = array<i32>} : memref<512x64xf32, #tpu.memory_space<vmem>>, vector<16xf32>,
      %mul3A_778 = arith.mulf %get3A_774, %get3A_777 : vector<16xf32>
      %add3A_779 = arith.addf %add3A_771, %mul3A_778 : vector<16xf32>
      %reduce_sum3A_780 = arith.constant true
      %reduce_sum3A_781 = vector.broadcast %reduce_sum3A_780 : i1 to vector<16xi1>
      %reduce_sum3A_782 = tpu.scan <sum>, %add3A_779 masked %reduce_sum3A_781 : vector<16xf32>, vector<16xi1> -> vector<16xf32>
      %reduce_sum3A_783 = vector.extract %reduce_sum3A_782[15] : f32 from vector<16xf32>
      %eq3A_784 = arith.constant 10 : i32
      %eq3A_785 = vector.broadcast %eq3A_784 : i32 to vector<16xi32>
      %eq3A_786 = arith.cmpi eq, %iota3A, %eq3A_785 : vector<16xi32>
      %broadcast_in_dim3A_787 = vector.broadcast %reduce_sum3A_783 : f32 to vector<16xf32>
      %select_n3A_788 = arith.select %eq3A_786, %broadcast_in_dim3A_787, %select_n3A_743 : vector<16xi1>, vector<16xf32>
      %add3A_789 = arith.constant 11 : i32
      %add3A_790 = arith.addi %mul3A_296, %add3A_789 : i32
      %broadcast_in_dim3A_791 = arith.constant 0.000000e+00 : f32
      %broadcast_in_dim3A_792 = vector.broadcast %broadcast_in_dim3A_791 : f32 to vector<16xf32>
      %get3A_793 = arith.index_cast %add3A_790 : i32 to index
      %get3A_794 = arith.constant 0 : index
      %get3A_795 = tpu.vector_load %arg11[%get3A_793, %get3A_794] {strides = array<i32>} : memref<512x64xf32, #tpu.memory_space<vmem>>, vector<16xf32>,
      %get3A_796 = arith.index_cast %add3A_790 : i32 to index
      %get3A_797 = arith.constant 0 : index
      %get3A_798 = tpu.vector_load %arg12[%get3A_796, %get3A_797] {strides = array<i32>} : memref<512x64xf32, #tpu.memory_space<vmem>>, vector<16xf32>,
      %mul3A_799 = arith.mulf %get3A_795, %get3A_798 : vector<16xf32>
      %add3A_800 = arith.addf %broadcast_in_dim3A_792, %mul3A_799 : vector<16xf32>
      %get3A_801 = arith.index_cast %add3A_790 : i32 to index
      %get3A_802 = arith.constant 16 : index
      %get3A_803 = tpu.vector_load %arg11[%get3A_801, %get3A_802] {strides = array<i32>} : memref<512x64xf32, #tpu.memory_space<vmem>>, vector<16xf32>,
      %get3A_804 = arith.index_cast %add3A_790 : i32 to index
      %get3A_805 = arith.constant 16 : index
      %get3A_806 = tpu.vector_load %arg12[%get3A_804, %get3A_805] {strides = array<i32>} : memref<512x64xf32, #tpu.memory_space<vmem>>, vector<16xf32>,
      %mul3A_807 = arith.mulf %get3A_803, %get3A_806 : vector<16xf32>
      %add3A_808 = arith.addf %add3A_800, %mul3A_807 : vector<16xf32>
      %get3A_809 = arith.index_cast %add3A_790 : i32 to index
      %get3A_810 = arith.constant 32 : index
      %get3A_811 = tpu.vector_load %arg11[%get3A_809, %get3A_810] {strides = array<i32>} : memref<512x64xf32, #tpu.memory_space<vmem>>, vector<16xf32>,
      %get3A_812 = arith.index_cast %add3A_790 : i32 to index
      %get3A_813 = arith.constant 32 : index
      %get3A_814 = tpu.vector_load %arg12[%get3A_812, %get3A_813] {strides = array<i32>} : memref<512x64xf32, #tpu.memory_space<vmem>>, vector<16xf32>,
      %mul3A_815 = arith.mulf %get3A_811, %get3A_814 : vector<16xf32>
      %add3A_816 = arith.addf %add3A_808, %mul3A_815 : vector<16xf32>
      %get3A_817 = arith.index_cast %add3A_790 : i32 to index
      %get3A_818 = arith.constant 48 : index
      %get3A_819 = tpu.vector_load %arg11[%get3A_817, %get3A_818] {strides = array<i32>} : memref<512x64xf32, #tpu.memory_space<vmem>>, vector<16xf32>,
      %get3A_820 = arith.index_cast %add3A_790 : i32 to index
      %get3A_821 = arith.constant 48 : index
      %get3A_822 = tpu.vector_load %arg12[%get3A_820, %get3A_821] {strides = array<i32>} : memref<512x64xf32, #tpu.memory_space<vmem>>, vector<16xf32>,
      %mul3A_823 = arith.mulf %get3A_819, %get3A_822 : vector<16xf32>
      %add3A_824 = arith.addf %add3A_816, %mul3A_823 : vector<16xf32>
      %reduce_sum3A_825 = arith.constant true
      %reduce_sum3A_826 = vector.broadcast %reduce_sum3A_825 : i1 to vector<16xi1>
      %reduce_sum3A_827 = tpu.scan <sum>, %add3A_824 masked %reduce_sum3A_826 : vector<16xf32>, vector<16xi1> -> vector<16xf32>
      %reduce_sum3A_828 = vector.extract %reduce_sum3A_827[15] : f32 from vector<16xf32>
      %eq3A_829 = arith.constant 11 : i32
      %eq3A_830 = vector.broadcast %eq3A_829 : i32 to vector<16xi32>
      %eq3A_831 = arith.cmpi eq, %iota3A, %eq3A_830 : vector<16xi32>
      %broadcast_in_dim3A_832 = vector.broadcast %reduce_sum3A_828 : f32 to vector<16xf32>
      %select_n3A_833 = arith.select %eq3A_831, %broadcast_in_dim3A_832, %select_n3A_788 : vector<16xi1>, vector<16xf32>
      %add3A_834 = arith.constant 12 : i32
      %add3A_835 = arith.addi %mul3A_296, %add3A_834 : i32
      %broadcast_in_dim3A_836 = arith.constant 0.000000e+00 : f32
      %broadcast_in_dim3A_837 = vector.broadcast %broadcast_in_dim3A_836 : f32 to vector<16xf32>
      %get3A_838 = arith.index_cast %add3A_835 : i32 to index
      %get3A_839 = arith.constant 0 : index
      %get3A_840 = tpu.vector_load %arg11[%get3A_838, %get3A_839] {strides = array<i32>} : memref<512x64xf32, #tpu.memory_space<vmem>>, vector<16xf32>,
      %get3A_841 = arith.index_cast %add3A_835 : i32 to index
      %get3A_842 = arith.constant 0 : index
      %get3A_843 = tpu.vector_load %arg12[%get3A_841, %get3A_842] {strides = array<i32>} : memref<512x64xf32, #tpu.memory_space<vmem>>, vector<16xf32>,
      %mul3A_844 = arith.mulf %get3A_840, %get3A_843 : vector<16xf32>
      %add3A_845 = arith.addf %broadcast_in_dim3A_837, %mul3A_844 : vector<16xf32>
      %get3A_846 = arith.index_cast %add3A_835 : i32 to index
      %get3A_847 = arith.constant 16 : index
      %get3A_848 = tpu.vector_load %arg11[%get3A_846, %get3A_847] {strides = array<i32>} : memref<512x64xf32, #tpu.memory_space<vmem>>, vector<16xf32>,
      %get3A_849 = arith.index_cast %add3A_835 : i32 to index
      %get3A_850 = arith.constant 16 : index
      %get3A_851 = tpu.vector_load %arg12[%get3A_849, %get3A_850] {strides = array<i32>} : memref<512x64xf32, #tpu.memory_space<vmem>>, vector<16xf32>,
      %mul3A_852 = arith.mulf %get3A_848, %get3A_851 : vector<16xf32>
      %add3A_853 = arith.addf %add3A_845, %mul3A_852 : vector<16xf32>
      %get3A_854 = arith.index_cast %add3A_835 : i32 to index
      %get3A_855 = arith.constant 32 : index
      %get3A_856 = tpu.vector_load %arg11[%get3A_854, %get3A_855] {strides = array<i32>} : memref<512x64xf32, #tpu.memory_space<vmem>>, vector<16xf32>,
      %get3A_857 = arith.index_cast %add3A_835 : i32 to index
      %get3A_858 = arith.constant 32 : index
      %get3A_859 = tpu.vector_load %arg12[%get3A_857, %get3A_858] {strides = array<i32>} : memref<512x64xf32, #tpu.memory_space<vmem>>, vector<16xf32>,
      %mul3A_860 = arith.mulf %get3A_856, %get3A_859 : vector<16xf32>
      %add3A_861 = arith.addf %add3A_853, %mul3A_860 : vector<16xf32>
      %get3A_862 = arith.index_cast %add3A_835 : i32 to index
      %get3A_863 = arith.constant 48 : index
      %get3A_864 = tpu.vector_load %arg11[%get3A_862, %get3A_863] {strides = array<i32>} : memref<512x64xf32, #tpu.memory_space<vmem>>, vector<16xf32>,
      %get3A_865 = arith.index_cast %add3A_835 : i32 to index
      %get3A_866 = arith.constant 48 : index
      %get3A_867 = tpu.vector_load %arg12[%get3A_865, %get3A_866] {strides = array<i32>} : memref<512x64xf32, #tpu.memory_space<vmem>>, vector<16xf32>,
      %mul3A_868 = arith.mulf %get3A_864, %get3A_867 : vector<16xf32>
      %add3A_869 = arith.addf %add3A_861, %mul3A_868 : vector<16xf32>
      %reduce_sum3A_870 = arith.constant true
      %reduce_sum3A_871 = vector.broadcast %reduce_sum3A_870 : i1 to vector<16xi1>
      %reduce_sum3A_872 = tpu.scan <sum>, %add3A_869 masked %reduce_sum3A_871 : vector<16xf32>, vector<16xi1> -> vector<16xf32>
      %reduce_sum3A_873 = vector.extract %reduce_sum3A_872[15] : f32 from vector<16xf32>
      %eq3A_874 = arith.constant 12 : i32
      %eq3A_875 = vector.broadcast %eq3A_874 : i32 to vector<16xi32>
      %eq3A_876 = arith.cmpi eq, %iota3A, %eq3A_875 : vector<16xi32>
      %broadcast_in_dim3A_877 = vector.broadcast %reduce_sum3A_873 : f32 to vector<16xf32>
      %select_n3A_878 = arith.select %eq3A_876, %broadcast_in_dim3A_877, %select_n3A_833 : vector<16xi1>, vector<16xf32>
      %add3A_879 = arith.constant 13 : i32
      %add3A_880 = arith.addi %mul3A_296, %add3A_879 : i32
      %broadcast_in_dim3A_881 = arith.constant 0.000000e+00 : f32
      %broadcast_in_dim3A_882 = vector.broadcast %broadcast_in_dim3A_881 : f32 to vector<16xf32>
      %get3A_883 = arith.index_cast %add3A_880 : i32 to index
      %get3A_884 = arith.constant 0 : index
      %get3A_885 = tpu.vector_load %arg11[%get3A_883, %get3A_884] {strides = array<i32>} : memref<512x64xf32, #tpu.memory_space<vmem>>, vector<16xf32>,
      %get3A_886 = arith.index_cast %add3A_880 : i32 to index
      %get3A_887 = arith.constant 0 : index
      %get3A_888 = tpu.vector_load %arg12[%get3A_886, %get3A_887] {strides = array<i32>} : memref<512x64xf32, #tpu.memory_space<vmem>>, vector<16xf32>,
      %mul3A_889 = arith.mulf %get3A_885, %get3A_888 : vector<16xf32>
      %add3A_890 = arith.addf %broadcast_in_dim3A_882, %mul3A_889 : vector<16xf32>
      %get3A_891 = arith.index_cast %add3A_880 : i32 to index
      %get3A_892 = arith.constant 16 : index
      %get3A_893 = tpu.vector_load %arg11[%get3A_891, %get3A_892] {strides = array<i32>} : memref<512x64xf32, #tpu.memory_space<vmem>>, vector<16xf32>,
      %get3A_894 = arith.index_cast %add3A_880 : i32 to index
      %get3A_895 = arith.constant 16 : index
      %get3A_896 = tpu.vector_load %arg12[%get3A_894, %get3A_895] {strides = array<i32>} : memref<512x64xf32, #tpu.memory_space<vmem>>, vector<16xf32>,
      %mul3A_897 = arith.mulf %get3A_893, %get3A_896 : vector<16xf32>
      %add3A_898 = arith.addf %add3A_890, %mul3A_897 : vector<16xf32>
      %get3A_899 = arith.index_cast %add3A_880 : i32 to index
      %get3A_900 = arith.constant 32 : index
      %get3A_901 = tpu.vector_load %arg11[%get3A_899, %get3A_900] {strides = array<i32>} : memref<512x64xf32, #tpu.memory_space<vmem>>, vector<16xf32>,
      %get3A_902 = arith.index_cast %add3A_880 : i32 to index
      %get3A_903 = arith.constant 32 : index
      %get3A_904 = tpu.vector_load %arg12[%get3A_902, %get3A_903] {strides = array<i32>} : memref<512x64xf32, #tpu.memory_space<vmem>>, vector<16xf32>,
      %mul3A_905 = arith.mulf %get3A_901, %get3A_904 : vector<16xf32>
      %add3A_906 = arith.addf %add3A_898, %mul3A_905 : vector<16xf32>
      %get3A_907 = arith.index_cast %add3A_880 : i32 to index
      %get3A_908 = arith.constant 48 : index
      %get3A_909 = tpu.vector_load %arg11[%get3A_907, %get3A_908] {strides = array<i32>} : memref<512x64xf32, #tpu.memory_space<vmem>>, vector<16xf32>,
      %get3A_910 = arith.index_cast %add3A_880 : i32 to index
      %get3A_911 = arith.constant 48 : index
      %get3A_912 = tpu.vector_load %arg12[%get3A_910, %get3A_911] {strides = array<i32>} : memref<512x64xf32, #tpu.memory_space<vmem>>, vector<16xf32>,
      %mul3A_913 = arith.mulf %get3A_909, %get3A_912 : vector<16xf32>
      %add3A_914 = arith.addf %add3A_906, %mul3A_913 : vector<16xf32>
      %reduce_sum3A_915 = arith.constant true
      %reduce_sum3A_916 = vector.broadcast %reduce_sum3A_915 : i1 to vector<16xi1>
      %reduce_sum3A_917 = tpu.scan <sum>, %add3A_914 masked %reduce_sum3A_916 : vector<16xf32>, vector<16xi1> -> vector<16xf32>
      %reduce_sum3A_918 = vector.extract %reduce_sum3A_917[15] : f32 from vector<16xf32>
      %eq3A_919 = arith.constant 13 : i32
      %eq3A_920 = vector.broadcast %eq3A_919 : i32 to vector<16xi32>
      %eq3A_921 = arith.cmpi eq, %iota3A, %eq3A_920 : vector<16xi32>
      %broadcast_in_dim3A_922 = vector.broadcast %reduce_sum3A_918 : f32 to vector<16xf32>
      %select_n3A_923 = arith.select %eq3A_921, %broadcast_in_dim3A_922, %select_n3A_878 : vector<16xi1>, vector<16xf32>
      %add3A_924 = arith.constant 14 : i32
      %add3A_925 = arith.addi %mul3A_296, %add3A_924 : i32
      %broadcast_in_dim3A_926 = arith.constant 0.000000e+00 : f32
      %broadcast_in_dim3A_927 = vector.broadcast %broadcast_in_dim3A_926 : f32 to vector<16xf32>
      %get3A_928 = arith.index_cast %add3A_925 : i32 to index
      %get3A_929 = arith.constant 0 : index
      %get3A_930 = tpu.vector_load %arg11[%get3A_928, %get3A_929] {strides = array<i32>} : memref<512x64xf32, #tpu.memory_space<vmem>>, vector<16xf32>,
      %get3A_931 = arith.index_cast %add3A_925 : i32 to index
      %get3A_932 = arith.constant 0 : index
      %get3A_933 = tpu.vector_load %arg12[%get3A_931, %get3A_932] {strides = array<i32>} : memref<512x64xf32, #tpu.memory_space<vmem>>, vector<16xf32>,
      %mul3A_934 = arith.mulf %get3A_930, %get3A_933 : vector<16xf32>
      %add3A_935 = arith.addf %broadcast_in_dim3A_927, %mul3A_934 : vector<16xf32>
      %get3A_936 = arith.index_cast %add3A_925 : i32 to index
      %get3A_937 = arith.constant 16 : index
      %get3A_938 = tpu.vector_load %arg11[%get3A_936, %get3A_937] {strides = array<i32>} : memref<512x64xf32, #tpu.memory_space<vmem>>, vector<16xf32>,
      %get3A_939 = arith.index_cast %add3A_925 : i32 to index
      %get3A_940 = arith.constant 16 : index
      %get3A_941 = tpu.vector_load %arg12[%get3A_939, %get3A_940] {strides = array<i32>} : memref<512x64xf32, #tpu.memory_space<vmem>>, vector<16xf32>,
      %mul3A_942 = arith.mulf %get3A_938, %get3A_941 : vector<16xf32>
      %add3A_943 = arith.addf %add3A_935, %mul3A_942 : vector<16xf32>
      %get3A_944 = arith.index_cast %add3A_925 : i32 to index
      %get3A_945 = arith.constant 32 : index
      %get3A_946 = tpu.vector_load %arg11[%get3A_944, %get3A_945] {strides = array<i32>} : memref<512x64xf32, #tpu.memory_space<vmem>>, vector<16xf32>,
      %get3A_947 = arith.index_cast %add3A_925 : i32 to index
      %get3A_948 = arith.constant 32 : index
      %get3A_949 = tpu.vector_load %arg12[%get3A_947, %get3A_948] {strides = array<i32>} : memref<512x64xf32, #tpu.memory_space<vmem>>, vector<16xf32>,
      %mul3A_950 = arith.mulf %get3A_946, %get3A_949 : vector<16xf32>
      %add3A_951 = arith.addf %add3A_943, %mul3A_950 : vector<16xf32>
      %get3A_952 = arith.index_cast %add3A_925 : i32 to index
      %get3A_953 = arith.constant 48 : index
      %get3A_954 = tpu.vector_load %arg11[%get3A_952, %get3A_953] {strides = array<i32>} : memref<512x64xf32, #tpu.memory_space<vmem>>, vector<16xf32>,
      %get3A_955 = arith.index_cast %add3A_925 : i32 to index
      %get3A_956 = arith.constant 48 : index
      %get3A_957 = tpu.vector_load %arg12[%get3A_955, %get3A_956] {strides = array<i32>} : memref<512x64xf32, #tpu.memory_space<vmem>>, vector<16xf32>,
      %mul3A_958 = arith.mulf %get3A_954, %get3A_957 : vector<16xf32>
      %add3A_959 = arith.addf %add3A_951, %mul3A_958 : vector<16xf32>
      %reduce_sum3A_960 = arith.constant true
      %reduce_sum3A_961 = vector.broadcast %reduce_sum3A_960 : i1 to vector<16xi1>
      %reduce_sum3A_962 = tpu.scan <sum>, %add3A_959 masked %reduce_sum3A_961 : vector<16xf32>, vector<16xi1> -> vector<16xf32>
      %reduce_sum3A_963 = vector.extract %reduce_sum3A_962[15] : f32 from vector<16xf32>
      %eq3A_964 = arith.constant 14 : i32
      %eq3A_965 = vector.broadcast %eq3A_964 : i32 to vector<16xi32>
      %eq3A_966 = arith.cmpi eq, %iota3A, %eq3A_965 : vector<16xi32>
      %broadcast_in_dim3A_967 = vector.broadcast %reduce_sum3A_963 : f32 to vector<16xf32>
      %select_n3A_968 = arith.select %eq3A_966, %broadcast_in_dim3A_967, %select_n3A_923 : vector<16xi1>, vector<16xf32>
      %add3A_969 = arith.constant 15 : i32
      %add3A_970 = arith.addi %mul3A_296, %add3A_969 : i32
      %broadcast_in_dim3A_971 = arith.constant 0.000000e+00 : f32
      %broadcast_in_dim3A_972 = vector.broadcast %broadcast_in_dim3A_971 : f32 to vector<16xf32>
      %get3A_973 = arith.index_cast %add3A_970 : i32 to index
      %get3A_974 = arith.constant 0 : index
      %get3A_975 = tpu.vector_load %arg11[%get3A_973, %get3A_974] {strides = array<i32>} : memref<512x64xf32, #tpu.memory_space<vmem>>, vector<16xf32>,
      %get3A_976 = arith.index_cast %add3A_970 : i32 to index
      %get3A_977 = arith.constant 0 : index
      %get3A_978 = tpu.vector_load %arg12[%get3A_976, %get3A_977] {strides = array<i32>} : memref<512x64xf32, #tpu.memory_space<vmem>>, vector<16xf32>,
      %mul3A_979 = arith.mulf %get3A_975, %get3A_978 : vector<16xf32>
      %add3A_980 = arith.addf %broadcast_in_dim3A_972, %mul3A_979 : vector<16xf32>
      %get3A_981 = arith.index_cast %add3A_970 : i32 to index
      %get3A_982 = arith.constant 16 : index
      %get3A_983 = tpu.vector_load %arg11[%get3A_981, %get3A_982] {strides = array<i32>} : memref<512x64xf32, #tpu.memory_space<vmem>>, vector<16xf32>,
      %get3A_984 = arith.index_cast %add3A_970 : i32 to index
      %get3A_985 = arith.constant 16 : index
      %get3A_986 = tpu.vector_load %arg12[%get3A_984, %get3A_985] {strides = array<i32>} : memref<512x64xf32, #tpu.memory_space<vmem>>, vector<16xf32>,
      %mul3A_987 = arith.mulf %get3A_983, %get3A_986 : vector<16xf32>
      %add3A_988 = arith.addf %add3A_980, %mul3A_987 : vector<16xf32>
      %get3A_989 = arith.index_cast %add3A_970 : i32 to index
      %get3A_990 = arith.constant 32 : index
      %get3A_991 = tpu.vector_load %arg11[%get3A_989, %get3A_990] {strides = array<i32>} : memref<512x64xf32, #tpu.memory_space<vmem>>, vector<16xf32>,
      %get3A_992 = arith.index_cast %add3A_970 : i32 to index
      %get3A_993 = arith.constant 32 : index
      %get3A_994 = tpu.vector_load %arg12[%get3A_992, %get3A_993] {strides = array<i32>} : memref<512x64xf32, #tpu.memory_space<vmem>>, vector<16xf32>,
      %mul3A_995 = arith.mulf %get3A_991, %get3A_994 : vector<16xf32>
      %add3A_996 = arith.addf %add3A_988, %mul3A_995 : vector<16xf32>
      %get3A_997 = arith.index_cast %add3A_970 : i32 to index
      %get3A_998 = arith.constant 48 : index
      %get3A_999 = tpu.vector_load %arg11[%get3A_997, %get3A_998] {strides = array<i32>} : memref<512x64xf32, #tpu.memory_space<vmem>>, vector<16xf32>,
      %get3A_1000 = arith.index_cast %add3A_970 : i32 to index
      %get3A_1001 = arith.constant 48 : index
      %get3A_1002 = tpu.vector_load %arg12[%get3A_1000, %get3A_1001] {strides = array<i32>} : memref<512x64xf32, #tpu.memory_space<vmem>>, vector<16xf32>,
      %mul3A_1003 = arith.mulf %get3A_999, %get3A_1002 : vector<16xf32>
      %add3A_1004 = arith.addf %add3A_996, %mul3A_1003 : vector<16xf32>
      %reduce_sum3A_1005 = arith.constant true
      %reduce_sum3A_1006 = vector.broadcast %reduce_sum3A_1005 : i1 to vector<16xi1>
      %reduce_sum3A_1007 = tpu.scan <sum>, %add3A_1004 masked %reduce_sum3A_1006 : vector<16xf32>, vector<16xi1> -> vector<16xf32>
      %reduce_sum3A_1008 = vector.extract %reduce_sum3A_1007[15] : f32 from vector<16xf32>
      %eq3A_1009 = arith.constant 15 : i32
      %eq3A_1010 = vector.broadcast %eq3A_1009 : i32 to vector<16xi32>
      %eq3A_1011 = arith.cmpi eq, %iota3A, %eq3A_1010 : vector<16xi32>
      %broadcast_in_dim3A_1012 = vector.broadcast %reduce_sum3A_1008 : f32 to vector<16xf32>
      %select_n3A_1013 = arith.select %eq3A_1011, %broadcast_in_dim3A_1012, %select_n3A_968 : vector<16xi1>, vector<16xf32>
      %get3A_1014 = arith.index_cast %mul3A_296 : i32 to index
      %get3A_1015 = tpu.vector_load %arg13[%get3A_1014] {strides = array<i32>} : memref<512xf32, #tpu.memory_space<vmem>>, vector<16xf32>,
      %add3A_1016 = arith.addf %select_n3A_1013, %get3A_1015 : vector<16xf32>
      %get3A_1017 = arith.index_cast %mul3A_296 : i32 to index
      %get3A_1018 = tpu.vector_load %arg14[%get3A_1017] {strides = array<i32>} : memref<512xf32, #tpu.memory_space<vmem>>, vector<16xf32>,
      %add3A_1019 = arith.addf %add3A_1016, %get3A_1018 : vector<16xf32>
      %swap3A = arith.index_cast %mul3A_296 : i32 to index
      %swap3A_1020 = tpu.vector_load %arg15[%swap3A] {strides = array<i32>} : memref<512xf32, #tpu.memory_space<vmem>>, vector<16xf32>,
      tpu.vector_store %arg15[%swap3A], %add3A_1019 {strides = array<i32>} : memref<512xf32, #tpu.memory_space<vmem>>, vector<16xf32>,
    }
    %scan3A_291 = arith.constant 32 : i32
    %mul3A_292 = arith.constant 512 : i32
    %mul3A_293 = arith.muli %add3A, %mul3A_292 : i32
    "tpu.region"() ({
      %run_scoped3A = tpu.sem_alloc : memref<!tpu.dma_semaphore, #tpu.memory_space<semaphore_mem>>
      %dma_start3A_294 = tpu.memref_slice %arg8[%mul3A_293] : memref<16384xf32, #tpu.memory_space<hbm>> -> memref<512xf32, #tpu.memory_space<hbm>>
      %dma_start3A_295 = tpu.memref_slice %arg8[%mul3A_293] : memref<16384xf32, #tpu.memory_space<hbm>> -> memref<512xf32, #tpu.memory_space<hbm>>
      tpu.enqueue_dma source(%arg15 : memref<512xf32, #tpu.memory_space<vmem>>) target(%dma_start3A_295 : memref<512xf32, #tpu.memory_space<hbm>>) target_semaphore(%run_scoped3A : memref<!tpu.dma_semaphore, #tpu.memory_space<semaphore_mem>>)
      %dma_wait3A_296 = tpu.memref_slice %arg8[%mul3A_293] : memref<16384xf32, #tpu.memory_space<hbm>> -> memref<512xf32, #tpu.memory_space<hbm>>
      %dma_wait3A_297 = tpu.memref_slice %arg8[%mul3A_293] : memref<16384xf32, #tpu.memory_space<hbm>> -> memref<512xf32, #tpu.memory_space<hbm>>
      tpu.wait_dma2 semaphore(%run_scoped3A : memref<!tpu.dma_semaphore, #tpu.memory_space<semaphore_mem>>) src(%arg15 : memref<512xf32, #tpu.memory_space<vmem>>) dst(%dma_wait3A_297 : memref<512xf32, #tpu.memory_space<hbm>>)
      tpu.yield
    }) : () -> ()
    return
  }
}

</mosaic_0001>

<sc_bundles>
// kernel: kernel.3.cloned.1.call-start
scs
__scs_entry_jumppad:
0x0: {  	(pc) =	sbr.rel $0x88, $3  }
0x1: {  	(tag) =	ssettag $0x0;
	lr =	simm.s32 $0x1  }
0x2: {  	[smem:$0x3F9B] =	sst lr;
	_ =	strace $0xD0000000  }
0x3: {  	_ = 	snop  }
0x4: {  	_ = 	snop  }
0x5: {  	_ = 	snop  }
0x6: {  	_ = 	snop  }
0x7: {  	_ = 	snop  }
__scs_overlays_trampoline_lowered:
0x8: {  	[smem:$0x3FAA] =	sst s0  }
0x9: {  	[smem:$0x3FAB] =	sst s1  }
0xa: {  	[smem:$0x3FAC] =	sst s2  }
0xb: {  	[smem:$0x3FAD] =	sst s3  }
0xc: {  	[smem:$0x3FAE] =	sst s4  }
0xd: {  	[smem:$0x3FAF] =	sst s5  }
0xe: {  	[smem:$0x3FB0] =	sst s6  }
0xf: {  	[smem:$0x3FB1] =	sst s7  }
0x10: {  	[smem:$0x3FB2] =	sst s8  }
0x11: {  	[smem:$0x3FB3] =	sst s9;
	s0 =	simm.s32 @!p0 $0x0  }
0x12: {  	s1 =	sld [smem:$0x3F99];
	s0 =	simm.s32 @p0 $0x1  }
0x13: {  	[smem:$0x3FB4] =	sst s0;
	s0 =	simm.s32 @!p1 $0x0  }
0x14: {  	s2 =	sld [smem:$0x3F98];
	s0 =	simm.s32 @p1 $0x1  }
0x15: {  	[smem:$0x3FB5] =	sst s0;
	s0 =	simm.s32 @!p2 $0x0  }
0x16: {  	s3 =	sld [smem:$0x3FDB];
	s0 =	simm.s32 @p2 $0x1  }
0x17: {  	s4 =	simm.s32 $0x1BF5;
	[smem:$0x3FB7] =	sst s0  }
0x18: {  	s0 =	sld [smem:$0x3F9A];
	_ =	swait.ge [sflag:s4], $0x0  }
0x19: {  	s7 =	sld [smem:$0x3F9B]  }
0x1a: {  	s8 =	sadd.s32 $0xFFFFE003, lr  }
0x1b: {  	s9 =	sadd.s32 $0xFFFFFEF7, lr;
	s5 =	simm.s32 $0xFFFFFFFF;
	p2 =	slt.u32 s8, $0xFFFFF086  }
0x1c: {  	p1 =	slt.u32 s9, $0xF7A;
	s5 =	simm.s32 @!p2 $0x0  }
0x1d: {  	s5 =	simm.s32 @p1 $0x1;
	p0 =	seq.s32 s7, s2  }
0x1e: {  	s7 =	smul.u32 @!p0 $0xF7A, s2;
	p2 =	seq.s32 @!p0 s5, $0x0  }
0x1f: {  	s9 =	smul.u32 $0xF7A, s1;
	s8 =	simm.s32 @!p0 $0x1BF5;
	p2 =	por !p2, p0  }
0x20: {  	[sflag:s8] =	ssyncset.s32 @!p0 $0xFFFFF086;
	s6 =	sadd.s32 @!p0 s3, s7;
	s7 =	simm.s32 @!p0 $0x108  }
0x21: {  	s3 =	sadd.s32 s3, s9;
	s6 =	sadd.s32 @!p0 $0x88, s6;
	s7 =	simm.s32 @p2 $0x1082  }
0x22: {  	[simem:s7], [sflag:s8] =	dma.local @!p0 [hbm:s6], $0xF7A  }
0x23: {  	s9 =	sor.u32 $0xD0000000, s2;
	s6 =	simm.s32 $0x108;
	_ =	swait.ge @!p0 [sflag:s8], $0x0  }
0x24: {  	s3 =	sadd.s32 $0x88, s3;
	s6 =	simm.s32 @!p1 $0x1082;
	[sflag:s4] =	ssyncset.s32 $0xFFFFF086  }
0x25: {  	[simem:s6], [sflag:s4] =	dma.local [hbm:s3], $0xF7A  }
0x26: {  	[smem:$0x3F9B] =	sst s1;
	(tag) =	ssettag s2;
	_ =	strace s9  }
0x27: {  	s1 =	sld [smem:$0x3FAB]  }
0x28: {  	s2 =	sld [smem:$0x3FAC]  }
0x29: {  	s4 =	sld [smem:$0x3FAE]  }
0x2a: {  	p0 =	seq.s32 s5, $0x0;
	s5 =	sld [smem:$0x3FAF]  }
0x2b: {  	s6 =	sld [smem:$0x3FB0]  }
0x2c: {  	s7 =	sld [smem:$0x3FB1]  }
0x2d: {  	s3 =	simm.s32 $0x108;
	s8 =	sld [smem:$0x3FB2]  }
0x2e: {  	s3 =	simm.s32 @!p0 $0x1082;
	s9 =	sld [smem:$0x3FB3]  }
0x2f: {  	lr =	sadd.s32 s0, s3;
	s0 =	sld [smem:$0x3FAA]  }
0x30: {  	s3 =	sld [smem:$0x3FAD]  }
0x31: {  	[smem:$0x3FB6] =	sst s10  }
0x32: {  	s10 =	sld [smem:$0x3FB4];
	_ =	sdelay $0x3  }
0x33: {  	p0 =	seq.s32 s10, $0x1;
	s10 =	sld [smem:$0x3FB6];
	_ =	sdelay $0x3  }
0x34: {  	[smem:$0x3FB6] =	sst s10  }
0x35: {  	s10 =	sld [smem:$0x3FB5];
	_ =	sdelay $0x3  }
0x36: {  	p1 =	seq.s32 s10, $0x1;
	s10 =	sld [smem:$0x3FB6];
	_ =	sdelay $0x3  }
0x37: {  	[smem:$0x3FB6] =	sst s10  }
0x38: {  	s10 =	sld [smem:$0x3FB7]  }
0x39: {  	_ = 	snop;
	(pc) =	sbr.ind lr, $3  }
0x3a: {  	_ = 	snop  }
0x3b: {  	_ = 	snop  }
0x3c: {  	p2 =	seq.s32 s10, $0x1;
	s10 =	sld [smem:$0x3FB6]  }
0x3d: {  	_ =	shalt  }
0x3e: {  	_ =	shalt  }
0x3f: {  	_ =	shalt  }
0x40: {  	_ =	shalt  }
0x41: {  	_ =	shalt  }
0x42: {  	_ =	shalt  }
0x43: {  	_ =	shalt  }
0x44: {  	_ =	shalt  }
0x45: {  	_ =	shalt  }
0x46: {  	_ =	shalt  }
0x47: {  	_ =	shalt  }
0x48: {  	_ =	shalt  }
0x49: {  	_ =	shalt  }
0x4a: {  	_ =	shalt  }
0x4b: {  	_ =	shalt  }
0x4c: {  	_ =	shalt  }
0x4d: {  	_ =	shalt  }
0x4e: {  	_ =	shalt  }
0x4f: {  	_ =	shalt  }
0x50: {  	_ =	shalt  }
0x51: {  	_ =	shalt  }
0x52: {  	_ =	shalt  }
0x53: {  	_ =	shalt  }
0x54: {  	_ =	shalt  }
0x55: {  	_ =	shalt  }
0x56: {  	_ =	shalt  }
0x57: {  	_ =	shalt  }
0x58: {  	_ =	shalt  }
0x59: {  	_ =	shalt  }
0x5a: {  	_ =	shalt  }
0x5b: {  	_ =	shalt  }
0x5c: {  	_ =	shalt  }
0x5d: {  	_ =	shalt  }
0x5e: {  	_ =	shalt  }
0x5f: {  	_ =	shalt  }
0x60: {  	_ =	shalt  }
0x61: {  	_ =	shalt  }
0x62: {  	_ =	shalt  }
0x63: {  	_ =	shalt  }
0x64: {  	_ =	shalt  }
0x65: {  	_ =	shalt  }
0x66: {  	_ =	shalt  }
0x67: {  	_ =	shalt  }
0x68: {  	_ =	shalt  }
0x69: {  	_ =	shalt  }
0x6a: {  	_ =	shalt  }
0x6b: {  	_ =	shalt  }
0x6c: {  	_ =	shalt  }
0x6d: {  	_ =	shalt  }
0x6e: {  	_ =	shalt  }
0x6f: {  	_ =	shalt  }
0x70: {  	_ =	shalt  }
0x71: {  	_ =	shalt  }
0x72: {  	_ =	shalt  }
0x73: {  	_ =	shalt  }
0x74: {  	_ =	shalt  }
0x75: {  	_ =	shalt  }
0x76: {  	_ =	shalt  }
0x77: {  	_ =	shalt  }
0x78: {  	_ =	shalt  }
0x79: {  	_ =	shalt  }
0x7a: {  	_ =	shalt  }
0x7b: {  	_ =	shalt  }
0x7c: {  	_ =	shalt  }
0x7d: {  	_ =	shalt  }
0x7e: {  	_ =	shalt  }
0x7f: {  	_ =	shalt  }
0x80: {  	_ =	shalt  }
0x81: {  	_ =	shalt  }
0x82: {  	_ =	shalt  }
0x83: {  	_ =	shalt  }
0x84: {  	_ =	shalt  }
0x85: {  	_ =	shalt  }
0x86: {  	_ =	shalt  }
0x87: {  	_ =	shalt  }
.Lfunc_end0:
.L_simem_size_0:
called_computation_lowered:
.L_overlay_start_0:
0x88: {  	s2 =	sld [smem:$0x3FD9]  }
0x89: {  	s3 =	sld [smem:$0x3FFE];
	_ =	sdelay $0x1  }
0x8a: {  	s1 =	srdreg.scid  }
0x8b: {  	s0 =	sand.u32 $0x1, s1  }
0x8c: {  	s17 =	sshll.u32 s0, $0xA;
	s2 =	sadd.s32 s3, s2  }
0x8d: {  	s2 =	sadd.s32 s2, s17  }
0x8e: {  	[smem:$0x3FC2] =	sst s2  }
0x8f: {  	_ = 	snop  }
0x90: {  	s2 =	sld [smem:$0x3FC9]  }
0x91: {  	s18 =	sld [smem:$0x3FC8]  }
0x92: {  	s4 =	sld [smem:$0x3FD0];
	(tm) =	ssettm $0x1  }
0x93: {  	s5 =	sld [smem:$0x3FFB];
	_ =	sdelay $0x3  }
0x94: {  	_ =	strace s5  }
0x95: {  	s5 =	sld [smem:$0x3FFC];
	_ =	sdelay $0x3  }
0x96: {  	_ =	strace s5  }
0x97: {  	s5 =	sld [smem:$0x3FFD];
	_ =	sdelay $0x3  }
0x98: {  	_ =	strace s5  }
0x99: {  	_ =	strace $0x8FFFFFFF  }
0x9a: {  	s19 =	sld [smem:$0x3FDB];
	_ =	sdelay $0x1  }
0x9b: {  	s6 =	simm.s32 $_scs_section_size  }
0x9c: {  	s7 =	simm.s32 $_size__tile_overlayer_lowered;
	s8 =	simm.s32 $_tile_overlayer_lowered  }
0x9d: {  	s22 =	simm.s32 $0x1BFF;
	s21 =	sshll.u32 s8, $0x1;
	s5 =	sadd.s32 s6, s19  }
0x9e: {  	s9 =	simm.s32 $0x0;
	s20 =	sshll.u32 s7, $0x1;
	s7 =	sadd.s32 s21, s5  }
0x9f: {  	[timem:s9], [sflag:s22] =	dma.local [hbm:s7], s20  }
0xa0: {  	_ =	swait.ge [sflag:s22], s20  }
0xa1: {  	s6 =	ssub.s32 $0x0, s20;
	[sflag:s22] =	ssyncset.done $0x0  }
0xa2: {  	[sflag:s22] =	ssyncadd.s32 s6;
	_ =	sdelay $0x1  }
0xa3: {  	s23 =	simm.s32 $0x1B8B  }
0xa4: {  	_ =	swait.ge [sflag:s23], $0x1  }
0xa5: {  	[sflag:s23] =	ssyncset.done $0x0  }
0xa6: {  	s25 =	simm.s32 $0x1B8E;
	s24 =	sld [smem:$0x3FFE];
	[sflag:s23] =	ssyncadd.s32 $0xFFFFFFFF  }
0xa7: {  	s26 =	simm.s32 $execute0_lowered;
	[smem:$0x3FD2] =	sst s25  }
0xa8: {  	s7 =	sshll.u32 s26, $0x1;
	_ =	strace $0x80000046;
	[dreg:$0x1] =	wrdreg $0xFFFFFFFF  }
0xa9: {  	s28 =	simm.s32 $_size_execute0_lowered;
	s5 =	sadd.s32 s5, s7;
	[dreg:$0x0] =	wrdreg $0x0  }
0xaa: {  	s7 =	sshll.u32 s28, $0x1;
	[dreg:$0x2] =	wrdreg s5  }
0xab: {  	[dreg:$0x3] =	wrdreg s7  }
0xac: {  	[dreg:$0x4] =	wrdreg $0xC0  }
0xad: {  	_ =	task [dreg:s9], $0x5FFFF  }
0xae: {  	[dreg:$0x1] =	wrdreg $0xFFFFFFFF  }
0xaf: {  	[dreg:$0x0] =	wrdreg $0x60  }
0xb0: {  	[dreg:$0x2] =	wrdreg s2  }
0xb1: {  	[dreg:$0x3] =	wrdreg s18  }
0xb2: {  	[dreg:$0x4] =	wrdreg s24  }
0xb3: {  	[dreg:$0x5] =	wrdreg s4  }
0xb4: {  	[dreg:$0x6] =	wrdreg $0x9  }
0xb5: {  	_ =	task.clear_ibuf [dreg:s9], $0x7FFFF;
	_ =	strace $0x90000046  }
0xb6: {  	s29 =	simm.s32 $0x9;
	_ =	strace $0x80000048  }
0xb7: {  	_ =	swait.ge [sflag:s29], $0x1  }
0xb8: {  	[sflag:s29] =	ssyncadd.s32 $0xFFFFFFFF  }
0xb9: {  	_ =	strace $0x90000048  }
0xba: {  	_ =	sfence  }
0xbb: {  	s30 =	sld [smem:$0x0];
	_ =	sdelay $0x2  }
0xbc: {  	s31 =	sshll.u32 s1, $0xD;
	s1 =	sshrl.u32 s1, $0x2  }
0xbd: {  	s3 =	sand.u32 $0x4000, s31;
	s1 =	sadd.s32 s1, s30  }
0xbe: {  	s0 =	sor.u32 s3, s0;
	s1 =	sshll.u32 s1, $0x11  }
0xbf: {  	s0 =	sor.u32 s1, s0  }
0xc0: {  	s0 =	sadd.s32 $0x8F2B, s0  }
0xc1: {  	[sflag:s0] =	ssyncadd.remote.s32 $0x1  }
0xc2: {  	_ =	sfence.sel $0xFFFF  }
0xc3: {  	[dreg:$0x0] =	wrdreg $0xFFFFFFFF;
	(pc) =	sbr.abs _section_cstart, $3  }
0xc4: {  	[dreg:$0x1] =	wrdreg $0xFFFFFFFF  }
0xc5: {  	_ =	task.clear_ibuf [dreg:s9], $0x2FFFF;
	_ =	strace $0x9FFFFFFF  }
0xc6: {  	(tm) =	ssettm $0x7FFFFFFF  }
0xc7: {  	_ =	shalt  }
tec
execute0_lowered:
.L_overlay_start_1:
0x0: {  	(tag) =	ssettag $0x1  }
0x1: {  	s0 =	rddreg [dreg:$0x0]  }
0x2: {  	s3 =	rddreg [dreg:$0x1]  }
0x3: {  	s1 =	rddreg [dreg:$0x2]  }
0x4: {  	s9 =	rddreg [dreg:$0x3]  }
0x5: {  	s2 =	simm.s32 $0x0;
	s5 =	srdreg.scid;
	s6 =	stileid.u32  }
0x6: {  	s12 =	simm.s32 $0x200;
	s13 =	simm.s32 $0x80;
	s19 =	simm.s32 $0x280  }
0x7: {  	s23 =	simm.s32 $0x100;
	s25 =	simm.s32 $0x300;
	s28 =	simm.s32 $0x10500  }
0x8: {  	s29 =	simm.s32 $0x10700;
	s30 =	simm.s32 $0x180;
	s31 =	simm.s32 $0x6400  }
0x9: {  	s14 =	simm.s32 $0x10580;
	s15 =	simm.s32 $0x10780;
	s16 =	simm.s32 $0x1  }
0xa: {  	s17 =	simm.s32 $0x10800;
	s18 =	simm.s32 $0x0;
	[smem:$0x7FF] =	sst s2  }
0xb: {  	s4 =	sadd.s32 $0x16E3600, s1;
	s5 =	sand.u32 $0x1, s5;
	s6 =	sshll.u32 s6, $0x7  }
0xc: {  	vm0 =	vmmov $0x1;
	vm1 =	vmmov $0x3;
	vm2 =	vmmov $0x7;
	_ =	strace $0x80000047;
	s7 =	ssub.s32 $0x2, s5;
	s8 =	sshll.u32 s5, $0x6  }
0xd: {  	vm3 =	vmmov $0xf;
	vm4 =	vmmov $0x1f;
	vm5 =	vmmov $0x3f;
	s5 =	sadd.s32 $0xF42400, s1;
	s10 =	sshrl.u32 s7, $0x1;
	s11 =	sor.u32 s8, s6  }
0xe: {  	vm6 =	vmmov $0x7f;
	vm7 =	vmmov $0xff;
	vm8 =	vmmov $0x1ff;
	s6 =	sadd.s32 $0x1EA00, s1;
	s10 =	ssub.s32 s7, s10;
	s7 =	sadd.s32 s0, s11  }
0xf: {  	vm9 =	vmmov $0x3ff;
	vm10 =	vmmov $0x7ff;
	vm11 =	vmmov $0xfff;
	s8 =	sadd.s32 s3, s11;
	s9 =	sadd.s32 s9, s11;
	s11 =	simm.s32 $0x2  }
0x10: {  	vm12 =	vmmov $0x1fff;
	vm13 =	vmmov $0x3fff;
	vm14 =	vmmov $0x7fff;
	s0 =	simm.s32 $0x380;
	s3 =	simm.s32 $0xE400;
	s10 =	smax.u32 s10, $0x1  }
.LBB2_1:
0x11: {  	[tilespmem:s2], [sflag:$0x2] =	stream.linear.gather [hbm4b:s7+s2], $0x200, $0x38;
	[tilespmem:$0x10A00] =	vst v63  }
0x12: {  	_ =	swait.ge [sflag:s11], $0x200  }
0x13: {  	[sflag:s11] =	ssyncset.done $0x0  }
0x14: {  	[sflag:s11] =	ssyncadd.s32 $0xFFFFFE00  }
0x15: {  	[tilespmem:s12], [sflag:$0x2] =	stream.linear.gather [hbm4b:s8+s2], $0x200, $0x38;
	[tilespmem:$0x10A00] =	vst v63  }
0x16: {  	_ =	swait.ge [sflag:s11], $0x200  }
0x17: {  	[sflag:s11] =	ssyncset.done $0x0  }
0x18: {  	s20 =	simm.s32 $0x400;
	[sflag:s11] =	ssyncadd.s32 $0xFFFFFE00  }
0x19: {  	[tilespmem:s20], [sflag:$0x1] =	stream.indirect.gather [hbm4b:s4+s13], $0x40, s2, s13, $0xb8;
	[tilespmem:$0x10A00] =	vst v63  }
0x1a: {  	s26 =	simm.s32 $0x8400  }
0x1b: {  	[tilespmem:s26], [sflag:$0x1] =	stream.indirect.gather [hbm4b:s5+s13], $0x40, s12, s13, $0xb8;
	[tilespmem:$0x10A00] =	vst v63  }
0x1c: {  	s21 =	simm.s32 $0x10400  }
0x1d: {  	[tilespmem:s21], [sflag:$0x1] =	stream.indirect.gather [hbm4b:s6+s13], $0x1, s2, s13, $0xb8;
	[tilespmem:$0x10A00] =	vst v63  }
0x1e: {  	s22 =	simm.s32 $0x10600  }
0x1f: {  	[tilespmem:s22], [sflag:$0x1] =	stream.indirect.gather [hbm4b:s1+s13], $0x1, s12, s13, $0xb8;
	[tilespmem:$0x10A00] =	vst v63  }
0x20: {  	s24 =	simm.s32 $0x2400  }
0x21: {  	[tilespmem:s24], [sflag:$0x1] =	stream.indirect.gather [hbm4b:s4+s13], $0x40, s13, s13, $0xb8;
	[tilespmem:$0x10A00] =	vst v63  }
0x22: {  	s26 =	simm.s32 $0xA400  }
0x23: {  	[tilespmem:s26], [sflag:$0x1] =	stream.indirect.gather [hbm4b:s5+s13], $0x40, s19, s13, $0xb8;
	[tilespmem:$0x10A00] =	vst v63  }
0x24: {  	s21 =	simm.s32 $0x10480  }
0x25: {  	[tilespmem:s21], [sflag:$0x1] =	stream.indirect.gather [hbm4b:s6+s13], $0x1, s13, s13, $0xb8;
	[tilespmem:$0x10A00] =	vst v63  }
0x26: {  	s22 =	simm.s32 $0x10680  }
0x27: {  	[tilespmem:s22], [sflag:$0x1] =	stream.indirect.gather [hbm4b:s1+s13], $0x1, s19, s13, $0xb8;
	[tilespmem:$0x10A00] =	vst v63  }
0x28: {  	s24 =	simm.s32 $0x4400  }
0x29: {  	[tilespmem:s24], [sflag:$0x1] =	stream.indirect.gather [hbm4b:s4+s13], $0x40, s23, s13, $0xb8;
	[tilespmem:$0x10A00] =	vst v63  }
0x2a: {  	s26 =	simm.s32 $0xC400  }
0x2b: {  	[tilespmem:s26], [sflag:$0x1] =	stream.indirect.gather [hbm4b:s5+s13], $0x40, s25, s13, $0xb8;
	[tilespmem:$0x10A00] =	vst v63  }
0x2c: {  	_ = 	snop  }
0x2d: {  	[tilespmem:s28], [sflag:$0x1] =	stream.indirect.gather [hbm4b:s6+s13], $0x1, s23, s13, $0xb8;
	[tilespmem:$0x10A00] =	vst v63  }
0x2e: {  	_ = 	snop  }
0x2f: {  	[tilespmem:s29], [sflag:$0x1] =	stream.indirect.gather [hbm4b:s1+s13], $0x1, s25, s13, $0xb8;
	[tilespmem:$0x10A00] =	vst v63  }
0x30: {  	_ = 	snop  }
0x31: {  	[tilespmem:s31], [sflag:$0x1] =	stream.indirect.gather [hbm4b:s4+s13], $0x40, s30, s13, $0xb8;
	[tilespmem:$0x10A00] =	vst v63  }
0x32: {  	_ = 	snop  }
0x33: {  	[tilespmem:s3], [sflag:$0x1] =	stream.indirect.gather [hbm4b:s5+s13], $0x40, s0, s13, $0xb8;
	[tilespmem:$0x10A00] =	vst v63  }
0x34: {  	_ = 	snop  }
0x35: {  	[tilespmem:s14], [sflag:$0x1] =	stream.indirect.gather [hbm4b:s6+s13], $0x1, s30, s13, $0xb8;
	[tilespmem:$0x10A00] =	vst v63  }
0x36: {  	_ = 	snop  }
0x37: {  	[tilespmem:s15], [sflag:$0x1] =	stream.indirect.gather [hbm4b:s1+s13], $0x1, s0, s13, $0xb8;
	[tilespmem:$0x10A00] =	vst v63  }
0x38: {  	_ =	swait.ge [sflag:s16], $0x2000  }
0x39: {  	[sflag:s16] =	ssyncset.done $0x0  }
0x3a: {  	[sflag:s16] =	ssyncadd.s32 $0xFFFFE000  }
0x3b: {  	_ =	swait.ge [sflag:s16], $0x2000  }
0x3c: {  	[sflag:s16] =	ssyncset.done $0x0  }
0x3d: {  	[sflag:s16] =	ssyncadd.s32 $0xFFFFE000  }
0x3e: {  	_ =	swait.ge [sflag:s16], $0x80  }
0x3f: {  	[sflag:s16] =	ssyncset.done $0x0  }
0x40: {  	[sflag:s16] =	ssyncadd.s32 $0xFFFFFF80  }
0x41: {  	_ =	swait.ge [sflag:s16], $0x80  }
0x42: {  	[sflag:s16] =	ssyncset.done $0x0  }
0x43: {  	[sflag:s16] =	ssyncadd.s32 $0xFFFFFF80  }
0x44: {  	_ =	swait.ge [sflag:s16], $0x2000  }
0x45: {  	[sflag:s16] =	ssyncset.done $0x0  }
0x46: {  	[sflag:s16] =	ssyncadd.s32 $0xFFFFE000  }
0x47: {  	_ =	swait.ge [sflag:s16], $0x2000  }
0x48: {  	[sflag:s16] =	ssyncset.done $0x0  }
0x49: {  	[sflag:s16] =	ssyncadd.s32 $0xFFFFE000  }
0x4a: {  	_ =	swait.ge [sflag:s16], $0x80  }
0x4b: {  	[sflag:s16] =	ssyncset.done $0x0  }
0x4c: {  	[sflag:s16] =	ssyncadd.s32 $0xFFFFFF80  }
0x4d: {  	_ =	swait.ge [sflag:s16], $0x80  }
0x4e: {  	[sflag:s16] =	ssyncset.done $0x0  }
0x4f: {  	[sflag:s16] =	ssyncadd.s32 $0xFFFFFF80  }
0x50: {  	_ =	swait.ge [sflag:s16], $0x2000  }
0x51: {  	[sflag:s16] =	ssyncset.done $0x0  }
0x52: {  	[sflag:s16] =	ssyncadd.s32 $0xFFFFE000  }
0x53: {  	_ =	swait.ge [sflag:s16], $0x2000  }
0x54: {  	[sflag:s16] =	ssyncset.done $0x0  }
0x55: {  	[sflag:s16] =	ssyncadd.s32 $0xFFFFE000  }
0x56: {  	_ =	swait.ge [sflag:s16], $0x80  }
0x57: {  	[sflag:s16] =	ssyncset.done $0x0  }
0x58: {  	[sflag:s16] =	ssyncadd.s32 $0xFFFFFF80  }
0x59: {  	_ =	swait.ge [sflag:s16], $0x80  }
0x5a: {  	[sflag:s16] =	ssyncset.done $0x0  }
0x5b: {  	[sflag:s16] =	ssyncadd.s32 $0xFFFFFF80  }
0x5c: {  	_ =	swait.ge [sflag:s16], $0x2000  }
0x5d: {  	[sflag:s16] =	ssyncset.done $0x0  }
0x5e: {  	[sflag:s16] =	ssyncadd.s32 $0xFFFFE000  }
0x5f: {  	_ =	swait.ge [sflag:s16], $0x2000  }
0x60: {  	[sflag:s16] =	ssyncset.done $0x0  }
0x61: {  	[sflag:s16] =	ssyncadd.s32 $0xFFFFE000  }
0x62: {  	_ =	swait.ge [sflag:s16], $0x80  }
0x63: {  	[sflag:s16] =	ssyncset.done $0x0  }
0x64: {  	[sflag:s16] =	ssyncadd.s32 $0xFFFFFF80  }
0x65: {  	_ =	swait.ge [sflag:s16], $0x80  }
0x66: {  	[sflag:s16] =	ssyncset.done $0x0  }
0x67: {  	s21 =	simm.s32 $0x600;
	[sflag:s16] =	ssyncadd.s32 $0xFFFFFF80  }
0x68: {  	s20 =	simm.s32 $0x8600;
	v12 =	vld [tilespmem:s21+$0x1B0]  }
0x69: {  	v13 =	vld [tilespmem:s20+$0x1B0]  }
0x6a: {  	v17 =	vld [tilespmem:s21+$0x1D0]  }
0x6b: {  	v0 =	vld [tilespmem:s20+$0x1D0]  }
0x6c: {  	v57 =	vld [tilespmem:s21+$0x1A0]  }
0x6d: {  	v56 =	vld [tilespmem:s20+$0x1A0]  }
0x6e: {  	v52 =	vld [tilespmem:s21+$0x1C0]  }
0x6f: {  	v53 =	vld [tilespmem:s20+$0x1C0]  }
0x70: {  	v14 =	vld [tilespmem:s21+$0x130]  }
0x71: {  	v22 =	vld [tilespmem:s20+$0x130]  }
0x72: {  	v54 =	vld [tilespmem:s21+$0x160]  }
0x73: {  	v29 =	vld [tilespmem:s21+$0x190]  }
0x74: {  	v32 =	vld [tilespmem:s20+$0x190]  }
0x75: {  	v3 =	vld [tilespmem:s21+$0xF0]  }
0x76: {  	v5 =	vld [tilespmem:s20+$0xF0]  }
0x77: {  	v31 =	vld [tilespmem:s21+$0x120]  }
0x78: {  	v30 =	vld [tilespmem:s20+$0x120]  }
0x79: {  	v55 =	vld [tilespmem:s21+$0x150]  }
0x7a: {  	v58 =	vld [tilespmem:s20+$0x150]  }
0x7b: {  	v26 =	vld [tilespmem:s21+$0x180]  }
0x7c: {  	v33 =	vld [tilespmem:s20+$0x180]  }
0x7d: {  	v59 =	vld [tilespmem:s21+$0xE0]  }
0x7e: {  	v60 =	vld [tilespmem:s20+$0xE0]  }
0x7f: {  	v42 =	vld [tilespmem:s21+$0x110]  }
0x80: {  	v43 =	vld [tilespmem:s20+$0x110]  }
0x81: {  	v61 =	vld [tilespmem:s21+$0x140]  }
0x82: {  	v62 =	vld [tilespmem:s20+$0x140]  }
0x83: {  	v8 =	vld [tilespmem:s21+$0x70]  }
0x84: {  	v10 =	vld [tilespmem:s20+$0x70]  }
0x85: {  	v63 =	vld [tilespmem:s21+$0xA0]  }
0x86: {  	v44 =	vld [tilespmem:s21+$0xD0]  }
0x87: {  	v47 =	vld [tilespmem:s20+$0xD0]  }
0x88: {  	v48 =	vld [tilespmem:s21+$0x100]  }
0x89: {  	v49 =	vld [tilespmem:s20+$0x100]  }
0x8a: {  	v6 =	vld [tilespmem:s21+$0x30]  }
0x8b: {  	v7 =	vld [tilespmem:s20+$0x30]  }
0x8c: {  	v4 =	vld [tilespmem:s21+$0x90]  }
0x8d: {  	v9 =	vld [tilespmem:s20+$0x90]  }
0x8e: {  	v11 =	vld [tilespmem:s21+$0x80]  }
0x8f: {  	v34 =	vld [tilespmem:s20+$0x80]  }
0x90: {  	v35 =	vld [tilespmem:s21+$0xFFFFFFE0]  }
0x91: {  	v21 =	vld [tilespmem:s21+$0x40]  }
0x92: {  	v2 =	vld [tilespmem:s21+$0xFFFFFF70]  }
0x93: {  	v51 =	vld [tilespmem:s21+$0xFFFFFFA0]  }
0x94: {  	v50 =	vld [tilespmem:s20+$0xFFFFFFA0]  }
0x95: {  	v15 =	vld [tilespmem:s21+$0xFFFFFFD0]  }
0x96: {  	v16 =	vld [tilespmem:s20+$0xFFFFFFD0]  }
0x97: {  	v1 =	vld [tilespmem:s21+$0xFFFFFF60]  }
0x98: {  	v36 =	vld [tilespmem:s20+$0xFFFFFF60]  }
0x99: {  	v41 =	vld [tilespmem:s21+$0xFFFFFF90]  }
0x9a: {  	v40 =	vld [tilespmem:s20+$0xFFFFFF90]  }
0x9b: {  	v18 =	vld [tilespmem:s21+$0xFFFFFFC0]  }
0x9c: {  	v20 =	vld [tilespmem:s20+$0xFFFFFFC0]  }
0x9d: {  	v24 =	vld [tilespmem:s21+$0xFFFFFEF0]  }
0x9e: {  	v27 =	vld [tilespmem:s20+$0xFFFFFEF0]  }
0x9f: {  	v37 =	vld [tilespmem:s21+$0xFFFFFF20]  }
0xa0: {  	v46 =	vld [tilespmem:s21+$0xFFFFFF50]  }
0xa1: {  	v45 =	vld [tilespmem:s20+$0xFFFFFF50]  }
0xa2: {  	v25 =	vld [tilespmem:s21+$0xFFFFFEB0]  }
0xa3: {  	v28 =	vld [tilespmem:s20+$0xFFFFFEB0]  }
0xa4: {  	v38 =	vld [tilespmem:s21+$0xFFFFFEE0]  }
0xa5: {  	v39 =	vld [tilespmem:s20+$0xFFFFFEE0]  }
0xa6: {  	v19 =	vld [tilespmem:s21+$0xFFFFFF10]  }
0xa7: {  	v23 =	vld [tilespmem:s20+$0xFFFFFF10]  }
0xa8: {  	[tilespmem:$0x1FEC0] =	vst v52;
	v52 =	vld [tilespmem:s21+$0x60]  }
0xa9: {  	[tilespmem:$0x1FED0] =	vst v53;
	v53 =	vld [tilespmem:s20+$0x60]  }
0xaa: {  	[tilespmem:$0x1FEE0] =	vst v54;
	v54 =	vld [tilespmem:s21+$0xC0]  }
0xab: {  	[tilespmem:$0x1FEF0] =	vst v55;
	v55 =	vld [tilespmem:s20+$0xC0]  }
0xac: {  	[tilespmem:$0x1FF10] =	vst v61;
	v61 =	vld [tilespmem:s21+$0x20]  }
0xad: {  	[tilespmem:$0x1FFB0] =	vst v60;
	v60 =	vld [tilespmem:s20+$0x20]  }
0xae: {  	[tilespmem:$0x1FF00] =	vst v58;
	v58 =	vld [tilespmem:s21+$0x50]  }
0xaf: {  	[tilespmem:$0x1FFA0] =	vst v59;
	v59 =	vld [tilespmem:s20+$0x50]  }
0xb0: {  	[tilespmem:$0x1FF50] =	vst v9;
	v9 =	vld [tilespmem:s21+$0xFFFFFFB0]  }
0xb1: {  	[tilespmem:$0x1FF60] =	vst v11;
	v11 =	vld [tilespmem:s20+$0xFFFFFFB0]  }
0xb2: {  	[tilespmem:$0x1FF20] =	vst v62;
	v62 =	vld [tilespmem:s21+$0x10]  }
0xb3: {  	[tilespmem:$0x1FF30] =	vst v63;
	v63 =	vld [tilespmem:s20+$0x10]  }
0xb4: {  	[tilespmem:$0x1FEB0] =	vst v0;
	v0 =	vld [tilespmem:s20+$0x40]  }
0xb5: {  	[tilespmem:$0x1FF40] =	vst v4;
	v4 =	vld [tilespmem:s20+$0xFFFFFF70]  }
0xb6: {  	[tilespmem:$0x1FF80] =	vst v35;
	v35 =	vld [tilespmem:s21+$0x0]  }
0xb7: {  	[tilespmem:$0x1FF70] =	vst v34;
	v34 =	vld [tilespmem:s20+$0x0]  }
0xb8: {  	[tilespmem:$0x1FF90] =	vst v37;
	v37 =	vld [tilespmem:s21+$0xFFFFFF80]  }
0xb9: {  	[tilespmem:$0x1FFD0] =	vst v36;
	v36 =	vld [tilespmem:s20+$0xFFFFFF80]  }
0xba: {  	[tilespmem:$0x1FFF0] =	vst v39;
	v39 =	vld [tilespmem:s21+$0xFFFFFF40]  }
0xbb: {  	[tilespmem:$0x1FFE0] =	vst v38;
	v38 =	vld [tilespmem:s20+$0xFFFFFF40]  }
0xbc: {  	v33 =	vmul.f32 v33, v26;
	v26 =	vld [tilespmem:s21+$0xFFFFFE30]  }
0xbd: {  	[tilespmem:$0x1FFC0] =	vst v1;
	v1 =	vmul.f32 v32, v29;
	v29 =	vld [tilespmem:s20+$0xFFFFFE30]  }
0xbe: {  	v48 =	vmul.f32 v49, v48;
	v32 =	vld [tilespmem:s21+$0xFFFFFEA0]  }
0xbf: {  	v30 =	vmul.f32 v30, v31;
	v31 =	vld [tilespmem:s20+$0xFFFFFF00];
	v33 =	vadd.f32 $0.0e+00, v33  }
0xc0: {  	v42 =	vmul.f32 v43, v42;
	v49 =	vmul.f32 v13, v12;
	v12 =	vld [tilespmem:$0x1FFB0];
	v43 =	vadd.f32 $0.0e+00, v48  }
0xc1: {  	v48 =	vadd.f32 v1, v33;
	v33 =	vld [tilespmem:s20+$0xFFFFFEA0]  }
0xc2: {  	v42 =	vadd.f32 v42, v43;
	v43 =	vld [tilespmem:s21+$0xFFFFFED0];
	v54 =	vmul.f32 v55, v54  }
0xc3: {  	v44 =	vmul.f32 v47, v44;
	v0 =	vmul.f32 v0, v21;
	v21 =	vld [tilespmem:s20+$0xFFFFFED0]  }
0xc4: {  	v1 =	vmul.f32 v56, v57;
	v56 =	vmul.f32 v34, v35;
	v34 =	vld [tilespmem:s21+$0xFFFFFE20];
	v57 =	vadd.f32 $0.0e+00, v54  }
0xc5: {  	v59 =	vmul.f32 v59, v58;
	v35 =	vld [tilespmem:s20+$0xFFFFFE20]  }
0xc6: {  	v62 =	vmul.f32 v63, v62;
	v0 =	vadd.f32 $0.0e+00, v0;
	v47 =	vadd.f32 v44, v57;
	v57 =	vld [tilespmem:$0x1FFA0]  }
0xc7: {  	v36 =	vmul.f32 v36, v37;
	v37 =	vld [tilespmem:s20+$0xFFFFFE90];
	v39 =	vmul.f32 v38, v39  }
0xc8: {  	v38 =	vld [tilespmem:s21+$0xFFFFFE10];
	v48 =	vadd.f32 v1, v48;
	v0 =	vadd.f32 v59, v0;
	v59 =	vmul.f32 v53, v52  }
0xc9: {  	v42 =	vadd.f32 v30, v42;
	v30 =	vld [tilespmem:s21+$0xFFFFFF00];
	v54 =	vmul.f32 v22, v14;
	v63 =	vadd.f32 $0.0e+00, v56  }
0xca: {  	v48 =	vadd.f32 v49, v48;
	v0 =	vadd.f32 v59, v0;
	v59 =	vld [tilespmem:s20+$0xFFFFFEC0]  }
0xcb: {  	v42 =	vadd.f32 v54, v42;
	v58 =	vmul.f32 v12, v57;
	v57 =	vld [tilespmem:s21+$0xFFFFFEC0]  }
0xcc: {  	v52 =	vadd.f32 v62, v63;
	v63 =	vld [tilespmem:s21+$0xFFFFFE80];
	(xrf2) =	vadd.scan.msk.f32 $0xffff, v48  }
0xcd: {  	v5 =	vmul.f32 v5, v3;
	(xrf2) =	vadd.scan.msk.f32 $0xffff, v42;
	v47 =	vadd.f32 v58, v47;
	v58 =	vmul.f32 v10, v8;
	v8 =	vld [tilespmem:s20+$0xFFFFFE80]  }
0xce: {  	v40 =	vmul.f32 v40, v41;
	v36 =	vadd.f32 $0.0e+00, v36;
	v44 =	vld [tilespmem:s21+$0xFFFFFE90]  }
0xcf: {  	v45 =	vmul.f32 v45, v46;
	v62 =	vadd.f32 v5, v47;
	v0 =	vadd.f32 v58, v0;
	v58 =	vld [tilespmem:$0x1FFC0]  }
0xd0: {  	v61 =	vmul.f32 v60, v61;
	v55 =	vmul.f32 v59, v57;
	v59 =	vld [tilespmem:$0x1FFD0]  }
0xd1: {  	v36 =	vadd.f32 v40, v36;
	v54 =	vadd.f32 $0.0e+00, v39;
	v5 =	vmul.f32 v50, v51;
	(xrf2) =	vadd.scan.msk.f32 $0xffff, v62;
	v62 =	vld [tilespmem:$0x1FFE0]  }
0xd2: {  	v3 =	vadd.f32 v61, v52;
	v10 =	vmul.f32 v7, v6;
	v47 =	vmul.f32 v8, v63;
	v63 =	vld [tilespmem:$0x1FFF0]  }
0xd3: {  	v56 =	vmul.f32 v11, v9;
	v39 =	vld [tilespmem:s20+$0xFFFFFE00];
	v21 =	vmul.f32 v21, v43;
	v36 =	vadd.f32 v5, v36  }
0xd4: {  	v43 =	vld [tilespmem:s21+$0xFFFFFE40];
	v46 =	vadd.f32 v45, v54;
	v57 =	vadd.f32 v10, v3  }
0xd5: {  	v45 =	vld [tilespmem:s21+$0xFFFFFE00];
	(xrf2) =	vadd.scan.msk.f32 $0xffff, v0;
	v61 =	vadd.f32 $0.0e+00, v55;
	v40 =	vadd.f32 v56, v36;
	v60 =	vmul.f32 v59, v58  }
0xd6: {  	v48 =	vmul.f32 v4, v2;
	v42 =	vld [tilespmem:s20+$0xFFFFFE10];
	v51, _, _ =	vpop (xrf2);
	(xrf2) =	vadd.scan.msk.f32 $0xffff, v57  }
0xd7: {  	s22 =	simm.s32 $0x0;
	s24 =	simm.s32 $0x40;
	v41 =	vadd.f32 v21, v61;
	v21, _, _ =	vpop (xrf2);
	(xrf2) =	vadd.scan.msk.f32 $0xffff, v40;
	v40 =	vld [tilespmem:s20+$0xFFFFFE40];
	v36 =	vadd.f32 v60, v46;
	v46 =	vmul.f32 v63, v62  }
.LBB2_2:
0xd8: {  	v49 =	vld [tilespmem:s21+$0xFFFFFE50]  }
0xd9: {  	v61 =	vld [tilespmem:s20+$0xFFFFFE50]  }
0xda: {  	v63 =	vld [tilespmem:s20+$0xFFFFFE60]  }
0xdb: {  	v4 =	vld [tilespmem:s21+$0xFFFFFE70]  }
0xdc: {  	v6 =	vld [tilespmem:s20+$0xFFFFFE70]  }
0xdd: {  	v9 =	vld [tilespmem:s20+$0xFFFFFF20]  }
0xde: {  	v11 =	vld [tilespmem:s20+$0xFFFFFF30]  }
0xdf: {  	v13 =	vld [tilespmem:s21+$0xB0]  }
0xe0: {  	v50 =	vld [tilespmem:$0x1FF00]  }
0xe1: {  	v53 =	vld [tilespmem:$0x1FEE0]  }
0xe2: {  	v54 =	vld [tilespmem:$0x1FEC0]  }
0xe3: {  	v55 =	vld [tilespmem:$0x1FED0]  }
0xe4: {  	v58 =	vld [tilespmem:$0x1FEB0]  }
0xe5: {  	v41 =	vadd.f32 v46, v41;
	v46 =	vld [tilespmem:$0x1FF10]  }
0xe6: {  	v60 =	vadd.f32 v48, v36;
	v48 =	vld [tilespmem:$0x1FF30];
	v37 =	vmul.f32 v37, v44  }
0xe7: {  	v39 =	vmul.f32 v39, v45;
	v0 =	vmul.f32 v27, v24;
	v27 =	vld [tilespmem:s21+$0xFFFFFE60]  }
0xe8: {  	v47 =	vadd.f32 $0.0e+00, v47;
	v26 =	vmul.f32 v29, v26;
	v29 =	vmul.f32 v31, v30;
	v30 =	vld [tilespmem:s21+$0xFFFFFF30]  }
0xe9: {  	v32 =	vmul.f32 v33, v32;
	v22 =	vmul.f32 v23, v19;
	v23 =	vld [tilespmem:s20+$0xFFFFFFE0]  }
0xea: {  	v1 =	vmul.f32 v42, v38;
	v19 =	vld [tilespmem:s21+$0xFFFFFFF0];
	v37 =	vadd.f32 v37, v47;
	v62 =	vadd.f32 $0.0e+00, v39  }
0xeb: {  	v36, _, _ =	vpop (xrf2);
	(xrf2) =	vadd.scan.msk.f32 $0xffff, v60;
	v40 =	vmul.f32 v40, v43;
	v25 =	vmul.f32 v28, v25;
	v42 =	vld [tilespmem:$0x1FF80];
	v41 =	vadd.f32 v0, v41  }
0xec: {  	v5 =	vmul.f32 v35, v34;
	v43 =	vld [tilespmem:$0x1FF40];
	v32 =	vadd.f32 v32, v37;
	v28 =	vadd.f32 v1, v62  }
0xed: {  	v8 =	vmul.f32 v61, v49;
	v7 =	vadd.f32 $0.0e+00, v40;
	v39 =	vld [tilespmem:$0x1FF90]  }
0xee: {  	v40 =	vld [tilespmem:$0x1FF60];
	v24, _, _ =	vpop (xrf2);
	(xrf2) =	vadd.scan.msk.f32 $0xffff, v41;
	v25 =	vadd.f32 v25, v32;
	v10 =	vadd.f32 v5, v28  }
0xef: {  	v31 =	vadd.f32 v8, v7;
	v41 =	vld [tilespmem:$0x1FF70];
	v27 =	vmul.f32 v63, v27  }
0xf0: {  	v44 =	vld [tilespmem:$0x1FF50];
	v38, _, _ =	vpop (xrf2);
	(xrf2) =	vadd.scan.msk.f32 $0xffff, v25;
	v25 =	vadd.f32 v26, v10;
	v26 =	vadd.f32 $0.0e+00, v29  }
0xf1: {  	v18 =	vmul.f32 v20, v18;
	v47 =	vld [tilespmem:$0x1FF20];
	v37 =	vadd.f32 v27, v31;
	v29 =	vmul.f32 v6, v4  }
0xf2: {  	v20 =	vmul.f32 v9, v39;
	v22 =	vadd.f32 v22, v26;
	v26 =	vld [tilespmem:s20+$0xFFFFFFF0]  }
0xf3: {  	v15 =	vmul.f32 v16, v15;
	v16 =	vld [tilespmem:s20+$0xA0];
	v18 =	vadd.f32 $0.0e+00, v18;
	v28, _, _ =	vpop (xrf2);
	(xrf2) =	vadd.scan.msk.f32 $0xffff, v25;
	v25 =	vadd.f32 v29, v37  }
0xf4: {  	v49 =	vld [tilespmem:$0x1FEF0];
	v2 =	vmul.f32 v11, v30;
	v12 =	vmul.f32 v41, v40;
	v20 =	vadd.f32 v20, v22  }
0xf5: {  	v15 =	vadd.f32 v15, v18;
	v18 =	vld [tilespmem:s20+$0xB0];
	v14 =	vmul.f32 v23, v42;
	v27, _, _ =	vpop (xrf2);
	(xrf2) =	vadd.scan.msk.f32 $0xffff, v25  }
0xf6: {  	v11 =	vld [tilespmem:s20+$0x160];
	v10 =	vmul.f32 v44, v43;
	v12 =	vadd.f32 $0.0e+00, v12;
	v20 =	vadd.f32 v2, v20  }
0xf7: {  	v8 =	vld [tilespmem:s21+$0x170];
	v14 =	vadd.f32 v14, v15;
	v7 =	vmul.f32 v47, v46;
	v45 =	vmul.f32 v26, v19  }
0xf8: {  	v9 =	vmul.f32 v16, v48;
	v10 =	vadd.f32 v10, v12;
	v12 =	vld [tilespmem:s20+$0x170];
	v22, _, _ =	vpop (xrf2);
	(xrf2) =	vadd.scan.msk.f32 $0xffff, v20  }
0xf9: {  	v5 =	vmul.f32 v50, v49;
	v6 =	vld [tilespmem:s21+$0x1E0];
	v7 =	vadd.f32 $0.0e+00, v7;
	v14 =	vadd.f32 v45, v14  }
0xfa: {  	v52 =	vmul.f32 v18, v13;
	v13 =	vld [tilespmem:s20+$0x1E0];
	v16 =	vadd.f32 v9, v10  }
0xfb: {  	v3 =	vld [tilespmem:s21+$0x1F0];
	v56 =	vmul.f32 v55, v54;
	v4 =	vmul.f32 v11, v53;
	v5 =	vadd.f32 v5, v7;
	v15, _, _ =	vpop (xrf2);
	(xrf2) =	vadd.scan.msk.f32 $0xffff, v14  }
0xfc: {  	v59 =	vld [tilespmem:s20+$0x1F0];
	v0 =	vmul.f32 v58, v17;
	v57 =	vadd.f32 v52, v16  }
0xfd: {  	v4 =	vadd.f32 v4, v5;
	v2 =	vadd.f32 $0.0e+00, v56;
	v8 =	vmul.f32 v12, v8  }
0xfe: {  	v60, _, _ =	vpop (xrf2);
	(xrf2) =	vadd.scan.msk.f32 $0xffff, v57  }
0xff: {  	v61 =	vmul.f32 v13, v6;
	v0 =	vadd.f32 v0, v2;
	v8 =	vadd.f32 v8, v4;
	v62, _, _ =	vpop (xrf2)  }
0x100: {  	v63 =	vbroadcast v60, $0xF;
	v5 =	vbroadcast v62, $0xF  }
0x101: {  	v1 =	vmul.f32 v59, v3;
	v0 =	vadd.f32 v61, v0;
	v9 =	vbroadcast v15, $0xF;
	(xrf2) =	vadd.scan.msk.f32 $0xffff, v8  }
0x102: {  	v11 =	vbroadcast v22, $0xF;
	v10 =	vsel vm0, v63, v5;
	v32, _, _ =	vpop (xrf2)  }
0x103: {  	v0 =	vadd.f32 v1, v0;
	v2 =	vsel vm1, v10, v9;
	v33 =	vbroadcast v32, $0xF  }
0x104: {  	v35 =	vbroadcast v27, $0xF;
	v34 =	vsel vm2, v2, v11  }
0x105: {  	v37 =	vbroadcast v28, $0xF;
	v1 =	vsel vm3, v34, v33;
	v39, _, _ =	vpop (xrf2);
	(xrf2) =	vadd.scan.msk.f32 $0xffff, v0  }
0x106: {  	v40 =	vsel vm4, v1, v35;
	v41 =	vbroadcast v39, $0xF  }
0x107: {  	v42 =	vbroadcast v38, $0xF;
	v0 =	vsel vm5, v40, v37  }
0x108: {  	v43 =	vbroadcast v24, $0xF;
	v44, _, _ =	vpop (xrf2);
	v0 =	vsel vm6, v0, v41  }
0x109: {  	v45 =	vbroadcast v44, $0xF;
	v0 =	vsel vm7, v0, v42  }
0x10a: {  	v46 =	vbroadcast v36, $0xF;
	v0 =	vsel vm8, v0, v43  }
0x10b: {  	s26 =	sshra.s32 s22, $0x2;
	v47 =	vbroadcast v21, $0xF;
	v48, _, _ =	vpop (xrf2);
	v0 =	vsel vm9, v0, v45  }
0x10c: {  	v50 =	vld [tilespmem:s26+$0x10400];
	v49 =	vbroadcast v48, $0xF;
	v0 =	vsel vm10, v0, v46  }
0x10d: {  	v52 =	vbroadcast v51, $0xF;
	v0 =	vsel vm11, v0, v47  }
0x10e: {  	v53 =	vld [tilespmem:s26+$0x10600];
	v0 =	vsel vm12, v0, v49  }
0x10f: {  	v0 =	vsel vm13, v0, v52;
	v54, _, _ =	vpop (xrf2)  }
0x110: {  	v0 =	vsel vm14, v0, v54  }
0x111: {  	v0 =	vadd.f32 v0, v50;
	_ =	sdelay $0x1  }
0x112: {  	v0 =	vadd.f32 v0, v53;
	_ =	sdelay $0x1  }
0x113: {  	s21 =	sadd.s32 $0x400, s21;
	[tilespmem:s26+$0x10800] =	vst v0  }
0x114: {  	s20 =	sadd.s32 $0x400, s20;
	v30 =	vld [tilespmem:s21+$0x1B0]  }
0x115: {  	v33 =	vld [tilespmem:s20+$0x1B0]  }
0x116: {  	v0 =	vld [tilespmem:s21+$0x1D0]  }
0x117: {  	v55 =	vld [tilespmem:s20+$0x1D0]  }
0x118: {  	v29 =	vld [tilespmem:s21+$0x1A0]  }
0x119: {  	v32 =	vld [tilespmem:s20+$0x1A0]  }
0x11a: {  	v56 =	vld [tilespmem:s21+$0x1C0]  }
0x11b: {  	v57 =	vld [tilespmem:s20+$0x1C0]  }
0x11c: {  	v31 =	vld [tilespmem:s21+$0x130]  }
0x11d: {  	v34 =	vld [tilespmem:s20+$0x130]  }
0x11e: {  	v58 =	vld [tilespmem:s21+$0x160]  }
0x11f: {  	v26 =	vld [tilespmem:s21+$0x190]  }
0x120: {  	v50 =	vld [tilespmem:s20+$0x190]  }
0x121: {  	v59 =	vld [tilespmem:s21+$0xF0]  }
0x122: {  	v21 =	vld [tilespmem:s20+$0xF0]  }
0x123: {  	v45 =	vld [tilespmem:s21+$0x120]  }
0x124: {  	v46 =	vld [tilespmem:s20+$0x120]  }
0x125: {  	v60 =	vld [tilespmem:s21+$0x150]  }
0x126: {  	v61 =	vld [tilespmem:s20+$0x150]  }
0x127: {  	v23 =	vld [tilespmem:s21+$0x180]  }
0x128: {  	v35 =	vld [tilespmem:s21+$0xE0]  }
0x129: {  	v44 =	vld [tilespmem:s20+$0xE0]  }
0x12a: {  	v62 =	vld [tilespmem:s21+$0x140]  }
0x12b: {  	v63 =	vld [tilespmem:s20+$0x140]  }
0x12c: {  	v37 =	vld [tilespmem:s21+$0x70]  }
0x12d: {  	v39 =	vld [tilespmem:s20+$0x70]  }
0x12e: {  	v4 =	vld [tilespmem:s21+$0xA0]  }
0x12f: {  	v36 =	vld [tilespmem:s21+$0x30]  }
0x130: {  	v38 =	vld [tilespmem:s20+$0x30]  }
0x131: {  	v49 =	vld [tilespmem:s21+$0x60]  }
0x132: {  	v51 =	vld [tilespmem:s20+$0x60]  }
0x133: {  	v5 =	vld [tilespmem:s21+$0x90]  }
0x134: {  	v6 =	vld [tilespmem:s20+$0x90]  }
0x135: {  	v47 =	vld [tilespmem:s21+$0x20]  }
0x136: {  	v48 =	vld [tilespmem:s20+$0x20]  }
0x137: {  	v1 =	vld [tilespmem:s21+$0x50]  }
0x138: {  	v2 =	vld [tilespmem:s20+$0x50]  }
0x139: {  	v7 =	vld [tilespmem:s21+$0x80]  }
0x13a: {  	v8 =	vld [tilespmem:s20+$0x80]  }
0x13b: {  	v42 =	vld [tilespmem:s21+$0xFFFFFFB0]  }
0x13c: {  	v43 =	vld [tilespmem:s20+$0xFFFFFFB0]  }
0x13d: {  	v9 =	vld [tilespmem:s21+$0xFFFFFFE0]  }
0x13e: {  	v3 =	vld [tilespmem:s21+$0x10]  }
0x13f: {  	v40 =	vld [tilespmem:s21+$0xFFFFFF70]  }
0x140: {  	v41 =	vld [tilespmem:s20+$0xFFFFFF70]  }
0x141: {  	v54 =	vld [tilespmem:s21+$0xFFFFFFA0]  }
0x142: {  	v10 =	vld [tilespmem:s21+$0xFFFFFFD0]  }
0x143: {  	v11 =	vld [tilespmem:s20+$0xFFFFFFD0]  }
0x144: {  	v52 =	vld [tilespmem:s21+$0xFFFFFF60]  }
0x145: {  	v53 =	vld [tilespmem:s20+$0xFFFFFF60]  }
0x146: {  	v22 =	vld [tilespmem:s21+$0xFFFFFFC0]  }
0x147: {  	v20 =	vld [tilespmem:s20+$0xFFFFFFC0]  }
0x148: {  	v24 =	vld [tilespmem:s21+$0xFFFFFEF0]  }
0x149: {  	v27 =	vld [tilespmem:s20+$0xFFFFFEF0]  }
0x14a: {  	v12 =	vld [tilespmem:s20+$0xFFFFFF50]  }
0x14b: {  	v13 =	vld [tilespmem:s21+$0xFFFFFF80]  }
0x14c: {  	v14 =	vld [tilespmem:s20+$0xFFFFFF80]  }
0x14d: {  	v25 =	vld [tilespmem:s21+$0xFFFFFEB0]  }
0x14e: {  	v28 =	vld [tilespmem:s20+$0xFFFFFEB0]  }
0x14f: {  	v15 =	vld [tilespmem:s21+$0xFFFFFEE0]  }
0x150: {  	v16 =	vld [tilespmem:s20+$0xFFFFFEE0]  }
0x151: {  	v19 =	vld [tilespmem:s21+$0xFFFFFF10]  }
0x152: {  	v18 =	vld [tilespmem:s21+$0xFFFFFF40]  }
0x153: {  	v17 =	vld [tilespmem:s20+$0xFFFFFF40]  }
0x154: {  	[tilespmem:$0x1FEF0] =	vst v60;
	v60 =	vld [tilespmem:s20+$0x180]  }
0x155: {  	[tilespmem:$0x1FEB0] =	vst v55;
	v55 =	vld [tilespmem:s21+$0x110]  }
0x156: {  	[tilespmem:$0x1FEE0] =	vst v58;
	v58 =	vld [tilespmem:s20+$0x110]  }
0x157: {  	[tilespmem:$0x1FEC0] =	vst v56;
	v56 =	vld [tilespmem:s21+$0xD0]  }
0x158: {  	[tilespmem:$0x1FE70] =	vst v59;
	v59 =	vld [tilespmem:s20+$0xD0]  }
0x159: {  	[tilespmem:$0x1FF00] =	vst v61;
	v61 =	vld [tilespmem:s21+$0x100]  }
0x15a: {  	[tilespmem:$0x1FF10] =	vst v62;
	v62 =	vld [tilespmem:s20+$0x100]  }
0x15b: {  	[tilespmem:$0x1FF20] =	vst v63;
	v63 =	vld [tilespmem:s21+$0xC0]  }
0x15c: {  	[tilespmem:$0x1FE80] =	vst v0;
	v0 =	vld [tilespmem:s20+$0xC0]  }
0x15d: {  	[tilespmem:$0x1FF30] =	vst v4;
	v4 =	vld [tilespmem:s20+$0x10]  }
0x15e: {  	[tilespmem:$0x1FF40] =	vst v5;
	v5 =	vld [tilespmem:s21+$0x40]  }
0x15f: {  	[tilespmem:$0x1FF50] =	vst v6;
	v6 =	vld [tilespmem:s20+$0x40]  }
0x160: {  	[tilespmem:$0x1FED0] =	vst v57;
	v57 =	vld [tilespmem:s20+$0xFFFFFFA0]  }
0x161: {  	[tilespmem:$0x1FF60] =	vst v7;
	v7 =	vld [tilespmem:s21+$0x0]  }
0x162: {  	[tilespmem:$0x1FF70] =	vst v8;
	v8 =	vld [tilespmem:s20+$0x0]  }
0x163: {  	[tilespmem:$0x1FF80] =	vst v9;
	v9 =	vld [tilespmem:s21+$0xFFFFFF90]  }
0x164: {  	[tilespmem:$0x1FEA0] =	vst v10;
	v10 =	vld [tilespmem:s20+$0xFFFFFF90]  }
0x165: {  	[tilespmem:$0x1FE90] =	vst v11;
	v11 =	vld [tilespmem:s21+$0xFFFFFF20]  }
0x166: {  	v50 =	vmul.f32 v50, v26;
	v26 =	vld [tilespmem:s21+$0xFFFFFE30]  }
0x167: {  	v30 =	vmul.f32 v33, v30;
	v33 =	vld [tilespmem:s20+$0xFFFFFEA0]  }
0x168: {  	v45 =	vmul.f32 v46, v45;
	v46 =	vld [tilespmem:s21+$0xFFFFFED0]  }
0x169: {  	v34 =	vmul.f32 v34, v31;
	v31 =	vld [tilespmem:s20+$0xFFFFFF00]  }
0x16a: {  	v35 =	vmul.f32 v44, v35;
	v44 =	vld [tilespmem:s21+$0xFFFFFE90]  }
0x16b: {  	[tilespmem:$0x1FF90] =	vst v11;
	v11 =	vld [tilespmem:s21+$0xFFFFFF50];
	v60 =	vmul.f32 v60, v23;
	v61 =	vmul.f32 v62, v61  }
0x16c: {  	v23 =	vld [tilespmem:s20+$0xFFFFFF10];
	v55 =	vmul.f32 v58, v55;
	v0 =	vmul.f32 v0, v63  }
0x16d: {  	v56 =	vmul.f32 v59, v56;
	v58 =	vld [tilespmem:s20+$0xFFFFFED0];
	v59 =	vmul.f32 v51, v49;
	v60 =	vadd.f32 $0.0e+00, v60  }
0x16e: {  	v63 =	vmul.f32 v39, v37;
	v37 =	vld [tilespmem:s20+$0xFFFFFE90];
	v49 =	vmul.f32 v10, v9  }
0x16f: {  	v9 =	vld [tilespmem:s20+$0xFFFFFE80];
	v61 =	vadd.f32 $0.0e+00, v61;
	v50 =	vadd.f32 v50, v60;
	v60 =	vmul.f32 v32, v29  }
0x170: {  	v5 =	vmul.f32 v6, v5;
	v51 =	vmul.f32 v38, v36;
	v38 =	vld [tilespmem:s21+$0xFFFFFE10];
	v0 =	vadd.f32 $0.0e+00, v0  }
0x171: {  	v39 =	vld [tilespmem:s20+$0xFFFFFE00];
	v55 =	vadd.f32 v55, v61;
	v50 =	vadd.f32 v60, v50  }
0x172: {  	v5 =	vadd.f32 $0.0e+00, v5;
	v0 =	vadd.f32 v56, v0;
	v56 =	vld [tilespmem:$0x1FE70]  }
0x173: {  	v1 =	vmul.f32 v2, v1;
	v29 =	vld [tilespmem:s20+$0xFFFFFE30];
	v45 =	vadd.f32 v45, v55;
	v50 =	vadd.f32 v30, v50  }
0x174: {  	v32 =	vld [tilespmem:s21+$0xFFFFFEA0]  }
0x175: {  	v47 =	vmul.f32 v48, v47;
	v1 =	vadd.f32 v1, v5;
	v61 =	vld [tilespmem:s21+$0xFFFFFEC0];
	(xrf2) =	vadd.scan.msk.f32 $0xffff, v50;
	v50 =	vadd.f32 v34, v45  }
0x176: {  	v62 =	vmul.f32 v14, v13;
	v5 =	vld [tilespmem:s21+$0xFFFFFE80];
	v55 =	vmul.f32 v8, v7  }
0x177: {  	v0 =	vadd.f32 v35, v0;
	v35 =	vld [tilespmem:s20+$0xFFFFFE20];
	v1 =	vadd.f32 v59, v1;
	v7 =	vmul.f32 v21, v56;
	(xrf2) =	vadd.scan.msk.f32 $0xffff, v50  }
0x178: {  	v3 =	vmul.f32 v4, v3;
	v48 =	vadd.f32 $0.0e+00, v62;
	v60 =	vadd.f32 $0.0e+00, v55;
	v45 =	vld [tilespmem:s20+$0xFFFFFEC0]  }
0x179: {  	v30 =	vld [tilespmem:s21+$0xFFFFFF00];
	v1 =	vadd.f32 v63, v1;
	v63 =	vmul.f32 v58, v46;
	v0 =	vadd.f32 v7, v0  }
0x17a: {  	v46 =	vmul.f32 v16, v15;
	v16 =	vld [tilespmem:$0x1FE90];
	v2 =	vadd.f32 v3, v60;
	v50 =	vmul.f32 v17, v18  }
0x17b: {  	v55 =	vmul.f32 v57, v54;
	v15 =	vld [tilespmem:$0x1FEA0];
	(xrf2) =	vadd.scan.msk.f32 $0xffff, v0;
	v0 =	vadd.f32 v49, v48  }
0x17c: {  	p0 =	sne.s32 s24, $0x7C0;
	v57 =	vmul.f32 v12, v11;
	v34 =	vld [tilespmem:s21+$0xFFFFFE20];
	v2 =	vadd.f32 v47, v2;
	v56 =	vadd.f32 $0.0e+00, v50  }
.Ltmp0:
0x17d: {  	v60 =	vmul.f32 v43, v42;
	v42 =	vld [tilespmem:s20+$0xFFFFFE10];
	v59 =	vmul.f32 v45, v61;
	v0 =	vadd.f32 v55, v0;
	(pc) =	sbr.rel @p0 .LBB2_2-.Ltmp0, $4  }
0x17e: {  	v43 =	vld [tilespmem:s21+$0xFFFFFE40];
	(xrf2) =	vadd.scan.msk.f32 $0xffff, v1;
	v2 =	vadd.f32 v51, v2;
	v1 =	vadd.f32 v57, v56  }
0x17f: {  	v17 =	vld [tilespmem:$0x1FE80];
	v61 =	vmul.f32 v53, v52;
	v62 =	vadd.f32 $0.0e+00, v59;
	v0 =	vadd.f32 v60, v0  }
0x180: {  	v18 =	vmov v22;
	v48 =	vmul.f32 v41, v40;
	v40 =	vld [tilespmem:s20+$0xFFFFFE40];
	v51, _, _ =	vpop (xrf2);
	(xrf2) =	vadd.scan.msk.f32 $0xffff, v2  }
0x181: {  	s22 =	smov.u32 s24;
	s24 =	sadd.s32 $0x40, s24;
	v47 =	vmul.f32 v9, v5;
	v45 =	vld [tilespmem:s21+$0xFFFFFE00];
	v36 =	vadd.f32 v61, v1;
	v41 =	vadd.f32 v63, v62;
	v21, _, _ =	vpop (xrf2);
	(xrf2) =	vadd.scan.msk.f32 $0xffff, v0  }
0x182: {  	v0 =	vld [tilespmem:s21+$0xFFFFFE50]  }
0x183: {  	v4 =	vld [tilespmem:s20+$0xFFFFFE50]  }
0x184: {  	v6 =	vld [tilespmem:s21+$0xFFFFFE60]  }
0x185: {  	v8 =	vld [tilespmem:s20+$0xFFFFFE60]  }
0x186: {  	v12 =	vld [tilespmem:s21+$0xFFFFFE70]  }
0x187: {  	v10 =	vmul.f32 v27, v24;
	v27 =	vld [tilespmem:s20+$0xFFFFFE70]  }
0x188: {  	v25 =	vmul.f32 v28, v25;
	v28 =	vld [tilespmem:s20+$0xFFFFFF20]  }
0x189: {  	v22 =	vmul.f32 v33, v32;
	v32 =	vld [tilespmem:s21+$0xFFFFFF30]  }
0x18a: {  	v33 =	vld [tilespmem:s20+$0xFFFFFF30]  }
0x18b: {  	v14 =	vld [tilespmem:s20+$0xFFFFFFE0]  }
0x18c: {  	v7 =	vmul.f32 v42, v38;
	v38 =	vld [tilespmem:s21+$0xFFFFFFF0]  }
0x18d: {  	v49 =	vld [tilespmem:s20+$0xB0]  }
0x18e: {  	v53 =	vld [tilespmem:$0x1FF40]  }
0x18f: {  	v54 =	vld [tilespmem:$0x1FF50]  }
0x190: {  	v55 =	vld [tilespmem:s20+$0x160]  }
0x191: {  	v57 =	vld [tilespmem:$0x1FF10]  }
0x192: {  	v58 =	vld [tilespmem:$0x1FF20]  }
0x193: {  	v2 =	vmul.f32 v37, v44;
	v13 =	vmul.f32 v35, v34;
	v59 =	vld [tilespmem:s21+$0x170]  }
0x194: {  	v35 =	vmul.f32 v23, v19;
	v61 =	vld [tilespmem:$0x1FF30];
	v3 =	vmul.f32 v39, v45  }
0x195: {  	v23 =	vld [tilespmem:$0x1FF00];
	v1 =	vadd.f32 $0.0e+00, v47;
	v5 =	vadd.f32 v48, v36;
	v11 =	vmul.f32 v40, v43  }
0x196: {  	v34 =	vmul.f32 v29, v26;
	v29 =	vld [tilespmem:$0x1FEE0];
	v9 =	vadd.f32 v46, v41;
	v3 =	vadd.f32 $0.0e+00, v3  }
0x197: {  	v1 =	vadd.f32 v2, v1;
	v39 =	vld [tilespmem:$0x1FF90];
	v11 =	vadd.f32 $0.0e+00, v11;
	v0 =	vmul.f32 v4, v0  }
0x198: {  	v31 =	vmul.f32 v31, v30;
	v46 =	vld [tilespmem:$0x1FF70];
	v9 =	vadd.f32 v10, v9;
	v3 =	vadd.f32 v7, v3  }
0x199: {  	v45 =	vld [tilespmem:$0x1FF60];
	v1 =	vadd.f32 v22, v1;
	v6 =	vmul.f32 v8, v6;
	v0 =	vadd.f32 v0, v11  }
0x19a: {  	v37 =	vmul.f32 v20, v18;
	v48 =	vld [tilespmem:$0x1FF80];
	v2 =	vadd.f32 $0.0e+00, v31;
	v3 =	vadd.f32 v13, v3  }
0x19b: {  	v30 =	vld [tilespmem:$0x1FEC0];
	(xrf2) =	vadd.scan.msk.f32 $0xffff, v5;
	v36 =	vmul.f32 v27, v12;
	v1 =	vadd.f32 v25, v1;
	v0 =	vadd.f32 v6, v0  }
0x19c: {  	v40 =	vld [tilespmem:s20+$0xFFFFFFF0];
	(xrf2) =	vadd.scan.msk.f32 $0xffff, v9;
	v2 =	vadd.f32 v35, v2;
	v4 =	vmul.f32 v28, v39;
	v3 =	vadd.f32 v34, v3  }
0x19d: {  	v42 =	vmul.f32 v16, v15;
	v41 =	vadd.f32 $0.0e+00, v37;
	v43 =	vld [tilespmem:s20+$0xA0];
	(xrf2) =	vadd.scan.msk.f32 $0xffff, v1;
	v0 =	vadd.f32 v36, v0  }
0x19e: {  	v44 =	vmul.f32 v33, v32;
	v22 =	vld [tilespmem:$0x1FEF0];
	v2 =	vadd.f32 v4, v2;
	v4 =	vmul.f32 v46, v45;
	(xrf2) =	vadd.scan.msk.f32 $0xffff, v3  }
0x19f: {  	v47 =	vld [tilespmem:s21+$0xB0];
	v5 =	vmul.f32 v14, v48;
	v1 =	vadd.f32 v42, v41;
	(xrf2) =	vadd.scan.msk.f32 $0xffff, v0  }
0x1a0: {  	v31 =	vld [tilespmem:$0x1FED0];
	v50 =	vadd.f32 v44, v2;
	v52 =	vadd.f32 $0.0e+00, v4;
	v3 =	vmul.f32 v54, v53  }
0x1a1: {  	v62 =	vld [tilespmem:s20+$0x170];
	v56 =	vmul.f32 v40, v38;
	v7 =	vmul.f32 v58, v57;
	v11, _, _ =	vpop (xrf2);
	v1 =	vadd.f32 v5, v1  }
0x1a2: {  	v60, _, _ =	vpop (xrf2);
	v34 =	vld [tilespmem:$0x1FEB0];
	v2 =	vadd.f32 v3, v52;
	v3 =	vmul.f32 v43, v61;
	(xrf2) =	vadd.scan.msk.f32 $0xffff, v50  }
0x1a3: {  	v24 =	vld [tilespmem:s21+$0x1E0];
	v20 =	vadd.f32 $0.0e+00, v7;
	v7 =	vmul.f32 v23, v22;
	v63, _, _ =	vpop (xrf2);
	v1 =	vadd.f32 v56, v1  }
0x1a4: {  	v27 =	vld [tilespmem:s20+$0x1E0];
	v26 =	vmul.f32 v49, v47;
	v25, _, _ =	vpop (xrf2);
	v2 =	vadd.f32 v3, v2  }
0x1a5: {  	v32 =	vld [tilespmem:s21+$0x1F0];
	v5 =	vadd.f32 v7, v20;
	v7 =	vmul.f32 v31, v30;
	v28, _, _ =	vpop (xrf2);
	v4 =	vmul.f32 v55, v29;
	(xrf2) =	vadd.scan.msk.f32 $0xffff, v1  }
0x1a6: {  	v35 =	vld [tilespmem:s20+$0x1F0];
	v37 =	vmul.f32 v62, v59;
	v33, _, _ =	vpop (xrf2);
	v2 =	vadd.f32 v26, v2  }
0x1a7: {  	v38 =	vadd.f32 $0.0e+00, v7;
	v4 =	vadd.f32 v4, v5;
	v3 =	vmul.f32 v34, v17;
	v36, _, _ =	vpop (xrf2)  }
0x1a8: {  	(xrf2) =	vadd.scan.msk.f32 $0xffff, v2;
	v39, _, _ =	vpop (xrf2)  }
0x1a9: {  	v41 =	vmul.f32 v27, v24;
	v40 =	vadd.f32 v37, v4;
	v3 =	vadd.f32 v3, v38;
	v42, _, _ =	vpop (xrf2)  }
0x1aa: {  	v43 =	vbroadcast v39, $0xF;
	v5 =	vbroadcast v42, $0xF  }
0x1ab: {  	v45 =	vmul.f32 v35, v32;
	v44 =	vbroadcast v36, $0xF;
	v3 =	vadd.f32 v41, v3;
	(xrf2) =	vadd.scan.msk.f32 $0xffff, v40  }
0x1ac: {  	v1 =	vbroadcast v33, $0xF;
	v47, _, _ =	vpop (xrf2);
	v46 =	vsel vm0, v43, v5  }
0x1ad: {  	v3 =	vadd.f32 v45, v3;
	v5 =	vbroadcast v47, $0xF;
	v2 =	vsel vm1, v46, v44  }
0x1ae: {  	v48 =	vbroadcast v28, $0xF;
	v1 =	vsel vm2, v2, v1  }
0x1af: {  	v49 =	vbroadcast v25, $0xF;
	(xrf2) =	vadd.scan.msk.f32 $0xffff, v3;
	v50, _, _ =	vpop (xrf2);
	v1 =	vsel vm3, v1, v5  }
0x1b0: {  	v52 =	vbroadcast v50, $0xF;
	v1 =	vsel vm4, v1, v48  }
0x1b1: {  	v0 =	vbroadcast v63, $0xF;
	v1 =	vsel vm5, v1, v49  }
0x1b2: {  	v53 =	vbroadcast v60, $0xF;
	v54, _, _ =	vpop (xrf2);
	v1 =	vsel vm6, v1, v52  }
0x1b3: {  	v55 =	vbroadcast v54, $0xF;
	v0 =	vsel vm7, v1, v0  }
0x1b4: {  	v56 =	vbroadcast v11, $0xF;
	v0 =	vsel vm8, v0, v53  }
0x1b5: {  	s26 =	sshra.s32 s22, $0x2;
	v57 =	vbroadcast v21, $0xF;
	v58, _, _ =	vpop (xrf2);
	v0 =	vsel vm9, v0, v55  }
0x1b6: {  	v60 =	vld [tilespmem:s26+$0x10400];
	v59 =	vbroadcast v58, $0xF;
	v0 =	vsel vm10, v0, v56  }
0x1b7: {  	v61 =	vbroadcast v51, $0xF;
	v0 =	vsel vm11, v0, v57  }
0x1b8: {  	v62 =	vld [tilespmem:s26+$0x10600];
	v0 =	vsel vm12, v0, v59  }
0x1b9: {  	v63, _, _ =	vpop (xrf2);
	v0 =	vsel vm13, v0, v61  }
0x1ba: {  	v0 =	vsel vm14, v0, v63  }
0x1bb: {  	v0 =	vadd.f32 v0, v60;
	_ =	sdelay $0x1  }
0x1bc: {  	s18 =	sadd.s32 $0x1, s18;
	v0 =	vadd.f32 v0, v62  }
0x1bd: {  	p0 =	sne.s32 s18, s10  }
.Ltmp1:
0x1be: {  	[tilespmem:s26+$0x10800] =	vst v0;
	(pc) =	sbr.rel @p0 .LBB2_1-.Ltmp1, $4  }
0x1bf: {  	[hbm4b:s9+s2] =	stream.linear.scatter [tilespmem:s17], [sflag:$0x2], $0x200, $0x38;
	[tilespmem:$0x10A00] =	vst v63  }
0x1c0: {  	_ =	swait.ge [sflag:s11], $0x200  }
0x1c1: {  	[sflag:s11] =	ssyncset.done $0x0  }
0x1c2: {  	[sflag:s11] =	ssyncadd.s32 $0xFFFFFE00  }
0x1c3: {  	_ =	sfence.sel $0x180000  }
0x1c4: {  	[bflag:$0x0] =	sbarrier.arrive $0xFFFF  }
0x1c5: {  	_ =	strace $0x90000047  }
0x1c6: {  	s0 =	stileid.u32;
	[bflag:$0x2] =	sbarrier.arrive $0xFFFF  }
0x1c7: {  	p0 =	sne.s32 s0, $0x0;
	s0 =	rddreg [dreg:$0x4]  }
0x1c8: {  	s0 =	sadd.s32 @!p0 $0x100000, s0  }
0x1c9: {  	[sflag:s0] =	ssyncadd.tile.s32 @!p0 $0x1;
	_ =	shalt  }
.Lfunc_end2:
_tile_overlayer_lowered:
.L_overlay_start_2:
0x1ca: {  	(tag) =	ssettag $0x2  }
0x1cb: {  	s0 =	rddreg [dreg:$0x0];
	s2 =	stileid.u32  }
0x1cc: {  	s1 =	rddreg [dreg:$0x1];
	p0 =	sne.s32 s2, $0x0  }
0x1cd: {  	s3 =	rddreg [dreg:$0x2];
	[bflag:$0x3] =	sbarrier.arrive $0xFFFF;
	s2 =	simm.s32 @!p0 $0x1C02  }
0x1ce: {  	[timem:s3], [sflag:s2] =	dma.local @!p0 [hbm:s0], s1  }
0x1cf: {  	s0 =	simm.s32 @!p0 $0x2  }
0x1d0: {  	_ =	swait.ge @!p0 [sflag:s0], s1  }
0x1d1: {  	s1 =	ssub.s32 @!p0 $0x0, s1;
	[sflag:s0] =	ssyncset.done @!p0 $0x0  }
0x1d2: {  	[sflag:s0] =	ssyncadd.s32 @!p0 s1  }
0x1d3: {  	[bflag:$0x3] =	sbarrier.arrive $0xFFFF  }
0x1d4: {  	_ =	shalt  }

</sc_bundles>
